<compile_context>
chip_gen: v7x
topology: tpu7x:2x2x1
jax: 0.10.2.dev20260603
libtpu: 0.0.44.dev20260713+nightly
codegen_flags: <defaults>
</compile_context>

<pallas_src>
import functools

import jax
import jax.numpy as jnp
from jax import lax
from jax.experimental import pallas as pl
from jax.experimental.pallas import tpu as pltpu
from jax.experimental.pallas import tpu_sc as plsc

VOCAB = 70873
EMBED_DIM = 128
BATCH = 4096
SEQ = 50

NC = 2
NS = 16
NW = NC * NS
B = BATCH * SEQ
BPW = B // NW
CHUNK = 128
NCH = BPW // CHUNK
NBUF = 5
DELTA = 2


def _emb_body(ids_hbm, table_hbm, out_hbm, idx_v, rows_v, gsem, ssem):
    wid = lax.axis_index("s") * NC + lax.axis_index("c")
    base = wid * BPW

    pltpu.sync_copy(ids_hbm.at[wid], idx_v)

    def start_gather(j, b):
        pltpu.async_copy(table_hbm.at[idx_v.at[j]], rows_v.at[b], gsem)

    def start_store(j, b):
        pltpu.async_copy(
            rows_v.at[b], out_hbm.at[pl.ds(base + j * CHUNK, CHUNK)], ssem
        )

    def wait_gather(b):
        pltpu.make_async_copy(
            table_hbm.at[idx_v.at[0]], rows_v.at[b], gsem
        ).wait()

    def wait_store(b):
        pltpu.make_async_copy(rows_v.at[b], out_hbm.at[pl.ds(0, CHUNK)], ssem).wait()

    for b in range(NBUF):
        start_gather(b, b)

    @pl.loop(0, NCH, step=NBUF)
    def _(j0):
        for db in range(NBUF):
            j = j0 + db
            wait_gather(db)
            start_store(j, db)

            @pl.when(jnp.logical_and(j >= DELTA, j < NCH - NBUF + DELTA))
            def _():
                wait_store(db)
                start_gather(j + NBUF - DELTA, (db + NBUF - DELTA) % NBUF)

    for db in range(NBUF):
        wait_store(db)


@functools.cache
def _build():
    mesh = plsc.VectorSubcoreMesh(core_axis_name="c", subcore_axis_name="s")
    return functools.partial(
        pl.kernel,
        mesh=mesh,
        out_type=jax.ShapeDtypeStruct((B, EMBED_DIM), jnp.float32),
        scratch_types=[
            pltpu.VMEM((NCH, CHUNK), jnp.int32),
            pltpu.VMEM((NBUF, CHUNK, EMBED_DIM), jnp.float32),
            pltpu.SemaphoreType.DMA,
            pltpu.SemaphoreType.DMA,
        ],
    )(_emb_body)


def kernel(input_ids, table):
    ids = input_ids.T.reshape(NW, NCH, CHUNK).astype(jnp.int32)
    out = _build()(ids, table)
    return out.reshape(SEQ, BATCH, EMBED_DIM).transpose(1, 0, 2)

# --- scband reference (transcript-rebuilt; emitter-appended) ---
"""Pipeline reference for scband-code-emb-29283087024299 (READ-ONLY COPY).

The authoritative reference and input builder live on the scoring server;
editing this copy changes nothing except your own understanding.
"""

import jax, jax.numpy as jnp
import numpy as np

VOCAB = 70873
EMBED_DIM = 128
BATCH = 4096
SEQ = 50

def setup_inputs(seed: int = 0) -> dict:
    key = jax.random.key(seed)
    k1, k2 = jax.random.split(key)
    input_ids = jax.random.randint(k1, (BATCH, SEQ), 0, VOCAB, dtype=jnp.int64 if jax.config.jax_enable_x64 else jnp.int32)
    table = jax.random.normal(k2, (VOCAB, EMBED_DIM), dtype=jnp.float32)
    # padding_idx=0 -> row 0 initialized to zeros, as in nn.Embedding(padding_idx=0)
    table = table.at[0].set(0.0)
    return {"input_ids": input_ids, "table": table}

def reference(input_ids, table):
    # CodeEmb.forward: output = self.embedding(input_ids)
    return jnp.take(table, input_ids, axis=0)

if __name__ == "__main__":
    import jax
    _d = setup_inputs()
    print(jax.jit(kernel)(*tuple(_d.values())))

</pallas_src>

<mosaic_0001>
#map = affine_map<(d0, d1) -> (0, 0, 0)>
#map1 = affine_map<(d0, d1) -> (0, 0)>
module attributes {stable_mosaic.version = 14 : i64} {
  func.func @_emb_body(%arg0: i32, %arg1: i32, %arg2: memref<32x50x128xi32, #tpu.memory_space<hbm>>, %arg3: memref<70873x128xf32, #tpu.memory_space<hbm>>, %arg4: memref<204800x128xf32, #tpu.memory_space<hbm>>, %arg5: memref<50x128xi32, #tpu.memory_space<vmem>>, %arg6: memref<5x128x128xf32, #tpu.memory_space<vmem>>, %arg7: memref<!tpu.dma_semaphore, #tpu.memory_space<semaphore_mem>>, %arg8: memref<!tpu.dma_semaphore, #tpu.memory_space<semaphore_mem>>) attributes {dimension_semantics = [#tpu.dimension_semantics<core_parallel>, #tpu.dimension_semantics<subcore_parallel>], iteration_bounds = array<i64: 2, 16>, scalar_prefetch = 0 : i64, scratch_operands = 4 : i64, tpu.core_type = #tpu.core_type<sc_vector_subcore>, window_params = [{transform_indices = #map}, {transform_indices = #map1}, {transform_indices = #map1}]} {
    %mul3A = arith.constant 2 : i32
    %mul3A_0 = arith.muli %arg1, %mul3A : i32
    %add3A = arith.addi %mul3A_0, %arg0 : i32
    %mul3A_1 = arith.constant 6400 : i32
    %mul3A_2 = arith.muli %add3A, %mul3A_1 : i32
    "tpu.region"() ({
      %run_scoped3A = tpu.sem_alloc : memref<!tpu.dma_semaphore, #tpu.memory_space<semaphore_mem>>
      %dma_start3A_140 = arith.constant 0 : i32
      %dma_start3A_141 = arith.constant 0 : i32
      %dma_start3A_142 = tpu.memref_slice %arg2[%add3A, %dma_start3A_140, %dma_start3A_141] : memref<32x50x128xi32, #tpu.memory_space<hbm>> -> memref<1x50x128xi32, #tpu.memory_space<hbm>>
      %dma_start3A_143 = tpu.memref_squeeze %dma_start3A_142 : memref<1x50x128xi32, #tpu.memory_space<hbm>> -> memref<50x128xi32, #tpu.memory_space<hbm>>
      %dma_start3A_144 = arith.constant 0 : i32
      %dma_start3A_145 = arith.constant 0 : i32
      %dma_start3A_146 = tpu.memref_slice %arg2[%add3A, %dma_start3A_144, %dma_start3A_145] : memref<32x50x128xi32, #tpu.memory_space<hbm>> -> memref<1x50x128xi32, #tpu.memory_space<hbm>>
      %dma_start3A_147 = tpu.memref_squeeze %dma_start3A_146 : memref<1x50x128xi32, #tpu.memory_space<hbm>> -> memref<50x128xi32, #tpu.memory_space<hbm>>
      tpu.enqueue_dma source(%dma_start3A_147 : memref<50x128xi32, #tpu.memory_space<hbm>>) target(%arg5 : memref<50x128xi32, #tpu.memory_space<vmem>>) target_semaphore(%run_scoped3A : memref<!tpu.dma_semaphore, #tpu.memory_space<semaphore_mem>>)
      %dma_wait3A_148 = arith.constant 0 : i32
      %dma_wait3A_149 = arith.constant 0 : i32
      %dma_wait3A_150 = tpu.memref_slice %arg2[%add3A, %dma_wait3A_148, %dma_wait3A_149] : memref<32x50x128xi32, #tpu.memory_space<hbm>> -> memref<1x50x128xi32, #tpu.memory_space<hbm>>
      %dma_wait3A_151 = tpu.memref_squeeze %dma_wait3A_150 : memref<1x50x128xi32, #tpu.memory_space<hbm>> -> memref<50x128xi32, #tpu.memory_space<hbm>>
      %dma_wait3A_152 = arith.constant 0 : i32
      %dma_wait3A_153 = arith.constant 0 : i32
      %dma_wait3A_154 = tpu.memref_slice %arg2[%add3A, %dma_wait3A_152, %dma_wait3A_153] : memref<32x50x128xi32, #tpu.memory_space<hbm>> -> memref<1x50x128xi32, #tpu.memory_space<hbm>>
      %dma_wait3A_155 = tpu.memref_squeeze %dma_wait3A_154 : memref<1x50x128xi32, #tpu.memory_space<hbm>> -> memref<50x128xi32, #tpu.memory_space<hbm>>
      tpu.wait_dma2 semaphore(%run_scoped3A : memref<!tpu.dma_semaphore, #tpu.memory_space<semaphore_mem>>) src(%dma_wait3A_155 : memref<50x128xi32, #tpu.memory_space<hbm>>) dst(%arg5 : memref<50x128xi32, #tpu.memory_space<vmem>>)
      tpu.yield
    }) : () -> ()
    %dma_start3A = arith.constant 0 : i32
    %dma_start3A_3 = arith.constant 0 : i32
    %dma_start3A_4 = arith.constant 0 : i32
    %dma_start3A_5 = arith.constant 0 : i32
    %dma_start3A_6 = tpu.memref_slice %arg6[%dma_start3A_3, %dma_start3A_4, %dma_start3A_5] : memref<5x128x128xf32, #tpu.memory_space<vmem>> -> memref<1x128x128xf32, #tpu.memory_space<vmem>>
    %dma_start3A_7 = tpu.memref_squeeze %dma_start3A_6 : memref<1x128x128xf32, #tpu.memory_space<vmem>> -> memref<128x128xf32, #tpu.memory_space<vmem>>
    %dma_start3A_8 = arith.constant 0 : i32
    %dma_start3A_9 = tpu.memref_slice %arg5[%dma_start3A, %dma_start3A_8] : memref<50x128xi32, #tpu.memory_space<vmem>> -> memref<1x128xi32, #tpu.memory_space<vmem>>
    %dma_start3A_10 = tpu.memref_squeeze %dma_start3A_9 : memref<1x128xi32, #tpu.memory_space<vmem>> -> memref<128xi32, #tpu.memory_space<vmem>>
    %dma_start3A_11 = arith.constant 0 : i32
    %dma_start3A_12 = arith.constant 0 : i32
    %dma_start3A_13 = tpu.memref_slice %arg3[%dma_start3A_11, %dma_start3A_12] : memref<70873x128xf32, #tpu.memory_space<hbm>> -> memref<70873x128xf32, #tpu.memory_space<hbm>>
    tpu.enqueue_indirect_dma source(%dma_start3A_13 : memref<70873x128xf32, #tpu.memory_space<hbm>>) target(%dma_start3A_7 : memref<128x128xf32, #tpu.memory_space<vmem>>) offsets(%dma_start3A_10 : memref<128xi32, #tpu.memory_space<vmem>>) semaphore(%arg7 : memref<!tpu.dma_semaphore, #tpu.memory_space<semaphore_mem>>)
    %dma_start3A_14 = arith.constant 1 : i32
    %dma_start3A_15 = arith.constant 1 : i32
    %dma_start3A_16 = arith.constant 0 : i32
    %dma_start3A_17 = arith.constant 0 : i32
    %dma_start3A_18 = tpu.memref_slice %arg6[%dma_start3A_15, %dma_start3A_16, %dma_start3A_17] : memref<5x128x128xf32, #tpu.memory_space<vmem>> -> memref<1x128x128xf32, #tpu.memory_space<vmem>>
    %dma_start3A_19 = tpu.memref_squeeze %dma_start3A_18 : memref<1x128x128xf32, #tpu.memory_space<vmem>> -> memref<128x128xf32, #tpu.memory_space<vmem>>
    %dma_start3A_20 = arith.constant 0 : i32
    %dma_start3A_21 = tpu.memref_slice %arg5[%dma_start3A_14, %dma_start3A_20] : memref<50x128xi32, #tpu.memory_space<vmem>> -> memref<1x128xi32, #tpu.memory_space<vmem>>
    %dma_start3A_22 = tpu.memref_squeeze %dma_start3A_21 : memref<1x128xi32, #tpu.memory_space<vmem>> -> memref<128xi32, #tpu.memory_space<vmem>>
    %dma_start3A_23 = arith.constant 0 : i32
    %dma_start3A_24 = arith.constant 0 : i32
    %dma_start3A_25 = tpu.memref_slice %arg3[%dma_start3A_23, %dma_start3A_24] : memref<70873x128xf32, #tpu.memory_space<hbm>> -> memref<70873x128xf32, #tpu.memory_space<hbm>>
    tpu.enqueue_indirect_dma source(%dma_start3A_25 : memref<70873x128xf32, #tpu.memory_space<hbm>>) target(%dma_start3A_19 : memref<128x128xf32, #tpu.memory_space<vmem>>) offsets(%dma_start3A_22 : memref<128xi32, #tpu.memory_space<vmem>>) semaphore(%arg7 : memref<!tpu.dma_semaphore, #tpu.memory_space<semaphore_mem>>)
    %dma_start3A_26 = arith.constant 2 : i32
    %dma_start3A_27 = arith.constant 2 : i32
    %dma_start3A_28 = arith.constant 0 : i32
    %dma_start3A_29 = arith.constant 0 : i32
    %dma_start3A_30 = tpu.memref_slice %arg6[%dma_start3A_27, %dma_start3A_28, %dma_start3A_29] : memref<5x128x128xf32, #tpu.memory_space<vmem>> -> memref<1x128x128xf32, #tpu.memory_space<vmem>>
    %dma_start3A_31 = tpu.memref_squeeze %dma_start3A_30 : memref<1x128x128xf32, #tpu.memory_space<vmem>> -> memref<128x128xf32, #tpu.memory_space<vmem>>
    %dma_start3A_32 = arith.constant 0 : i32
    %dma_start3A_33 = tpu.memref_slice %arg5[%dma_start3A_26, %dma_start3A_32] : memref<50x128xi32, #tpu.memory_space<vmem>> -> memref<1x128xi32, #tpu.memory_space<vmem>>
    %dma_start3A_34 = tpu.memref_squeeze %dma_start3A_33 : memref<1x128xi32, #tpu.memory_space<vmem>> -> memref<128xi32, #tpu.memory_space<vmem>>
    %dma_start3A_35 = arith.constant 0 : i32
    %dma_start3A_36 = arith.constant 0 : i32
    %dma_start3A_37 = tpu.memref_slice %arg3[%dma_start3A_35, %dma_start3A_36] : memref<70873x128xf32, #tpu.memory_space<hbm>> -> memref<70873x128xf32, #tpu.memory_space<hbm>>
    tpu.enqueue_indirect_dma source(%dma_start3A_37 : memref<70873x128xf32, #tpu.memory_space<hbm>>) target(%dma_start3A_31 : memref<128x128xf32, #tpu.memory_space<vmem>>) offsets(%dma_start3A_34 : memref<128xi32, #tpu.memory_space<vmem>>) semaphore(%arg7 : memref<!tpu.dma_semaphore, #tpu.memory_space<semaphore_mem>>)
    %dma_start3A_38 = arith.constant 3 : i32
    %dma_start3A_39 = arith.constant 3 : i32
    %dma_start3A_40 = arith.constant 0 : i32
    %dma_start3A_41 = arith.constant 0 : i32
    %dma_start3A_42 = tpu.memref_slice %arg6[%dma_start3A_39, %dma_start3A_40, %dma_start3A_41] : memref<5x128x128xf32, #tpu.memory_space<vmem>> -> memref<1x128x128xf32, #tpu.memory_space<vmem>>
    %dma_start3A_43 = tpu.memref_squeeze %dma_start3A_42 : memref<1x128x128xf32, #tpu.memory_space<vmem>> -> memref<128x128xf32, #tpu.memory_space<vmem>>
    %dma_start3A_44 = arith.constant 0 : i32
    %dma_start3A_45 = tpu.memref_slice %arg5[%dma_start3A_38, %dma_start3A_44] : memref<50x128xi32, #tpu.memory_space<vmem>> -> memref<1x128xi32, #tpu.memory_space<vmem>>
    %dma_start3A_46 = tpu.memref_squeeze %dma_start3A_45 : memref<1x128xi32, #tpu.memory_space<vmem>> -> memref<128xi32, #tpu.memory_space<vmem>>
    %dma_start3A_47 = arith.constant 0 : i32
    %dma_start3A_48 = arith.constant 0 : i32
    %dma_start3A_49 = tpu.memref_slice %arg3[%dma_start3A_47, %dma_start3A_48] : memref<70873x128xf32, #tpu.memory_space<hbm>> -> memref<70873x128xf32, #tpu.memory_space<hbm>>
    tpu.enqueue_indirect_dma source(%dma_start3A_49 : memref<70873x128xf32, #tpu.memory_space<hbm>>) target(%dma_start3A_43 : memref<128x128xf32, #tpu.memory_space<vmem>>) offsets(%dma_start3A_46 : memref<128xi32, #tpu.memory_space<vmem>>) semaphore(%arg7 : memref<!tpu.dma_semaphore, #tpu.memory_space<semaphore_mem>>)
    %dma_start3A_50 = arith.constant 4 : i32
    %dma_start3A_51 = arith.constant 4 : i32
    %dma_start3A_52 = arith.constant 0 : i32
    %dma_start3A_53 = arith.constant 0 : i32
    %dma_start3A_54 = tpu.memref_slice %arg6[%dma_start3A_51, %dma_start3A_52, %dma_start3A_53] : memref<5x128x128xf32, #tpu.memory_space<vmem>> -> memref<1x128x128xf32, #tpu.memory_space<vmem>>
    %dma_start3A_55 = tpu.memref_squeeze %dma_start3A_54 : memref<1x128x128xf32, #tpu.memory_space<vmem>> -> memref<128x128xf32, #tpu.memory_space<vmem>>
    %dma_start3A_56 = arith.constant 0 : i32
    %dma_start3A_57 = tpu.memref_slice %arg5[%dma_start3A_50, %dma_start3A_56] : memref<50x128xi32, #tpu.memory_space<vmem>> -> memref<1x128xi32, #tpu.memory_space<vmem>>
    %dma_start3A_58 = tpu.memref_squeeze %dma_start3A_57 : memref<1x128xi32, #tpu.memory_space<vmem>> -> memref<128xi32, #tpu.memory_space<vmem>>
    %dma_start3A_59 = arith.constant 0 : i32
    %dma_start3A_60 = arith.constant 0 : i32
    %dma_start3A_61 = tpu.memref_slice %arg3[%dma_start3A_59, %dma_start3A_60] : memref<70873x128xf32, #tpu.memory_space<hbm>> -> memref<70873x128xf32, #tpu.memory_space<hbm>>
    tpu.enqueue_indirect_dma source(%dma_start3A_61 : memref<70873x128xf32, #tpu.memory_space<hbm>>) target(%dma_start3A_55 : memref<128x128xf32, #tpu.memory_space<vmem>>) offsets(%dma_start3A_58 : memref<128xi32, #tpu.memory_space<vmem>>) semaphore(%arg7 : memref<!tpu.dma_semaphore, #tpu.memory_space<semaphore_mem>>)
    %scan3A = arith.constant 0 : i32
    %scan3A_62 = arith.constant 10 : i32
    %scan3A_63 = arith.addi %scan3A, %scan3A_62 : i32
    %scan3A_64 = arith.constant 1 : i32
    scf.for %scan3A_140 = %scan3A to %scan3A_63 step %scan3A_64  : i32 {
      %mul3A_141 = arith.constant 5 : i32
      %mul3A_142 = arith.muli %scan3A_140, %mul3A_141 : i32
      %add3A_143 = arith.constant 0 : i32
      %add3A_144 = arith.addi %add3A_143, %mul3A_142 : i32
      %add3A_145 = arith.constant 0 : i32
      %add3A_146 = arith.addi %add3A_144, %add3A_145 : i32
      %dma_wait3A_147 = arith.constant 0 : i32
      %dma_wait3A_148 = arith.constant 0 : i32
      %dma_wait3A_149 = arith.constant 0 : i32
      %dma_wait3A_150 = arith.constant 0 : i32
      %dma_wait3A_151 = tpu.memref_slice %arg6[%dma_wait3A_148, %dma_wait3A_149, %dma_wait3A_150] : memref<5x128x128xf32, #tpu.memory_space<vmem>> -> memref<1x128x128xf32, #tpu.memory_space<vmem>>
      %dma_wait3A_152 = tpu.memref_squeeze %dma_wait3A_151 : memref<1x128x128xf32, #tpu.memory_space<vmem>> -> memref<128x128xf32, #tpu.memory_space<vmem>>
      %dma_wait3A_153 = arith.constant 0 : i32
      %dma_wait3A_154 = tpu.memref_slice %arg5[%dma_wait3A_147, %dma_wait3A_153] : memref<50x128xi32, #tpu.memory_space<vmem>> -> memref<1x128xi32, #tpu.memory_space<vmem>>
      %dma_wait3A_155 = tpu.memref_squeeze %dma_wait3A_154 : memref<1x128xi32, #tpu.memory_space<vmem>> -> memref<128xi32, #tpu.memory_space<vmem>>
      %dma_wait3A_156 = arith.constant 0 : i32
      %dma_wait3A_157 = arith.constant 0 : i32
      %dma_wait3A_158 = tpu.memref_slice %arg3[%dma_wait3A_156, %dma_wait3A_157] : memref<70873x128xf32, #tpu.memory_space<hbm>> -> memref<70873x128xf32, #tpu.memory_space<hbm>>
      tpu.wait_indirect_dma semaphore(%arg7 : memref<!tpu.dma_semaphore, #tpu.memory_space<semaphore_mem>>) src(%dma_wait3A_158 : memref<70873x128xf32, #tpu.memory_space<hbm>>) dst(%dma_wait3A_152 : memref<128x128xf32, #tpu.memory_space<vmem>>)
      %mul3A_159 = arith.constant 128 : i32
      %mul3A_160 = arith.muli %add3A_146, %mul3A_159 : i32
      %add3A_161 = arith.addi %mul3A_2, %mul3A_160 : i32
      %dma_start3A_162 = arith.constant 0 : i32
      %dma_start3A_163 = arith.constant 0 : i32
      %dma_start3A_164 = arith.constant 0 : i32
      %dma_start3A_165 = tpu.memref_slice %arg6[%dma_start3A_162, %dma_start3A_163, %dma_start3A_164] : memref<5x128x128xf32, #tpu.memory_space<vmem>> -> memref<1x128x128xf32, #tpu.memory_space<vmem>>
      %dma_start3A_166 = tpu.memref_squeeze %dma_start3A_165 : memref<1x128x128xf32, #tpu.memory_space<vmem>> -> memref<128x128xf32, #tpu.memory_space<vmem>>
      %dma_start3A_167 = arith.constant 0 : i32
      %dma_start3A_168 = tpu.memref_slice %arg4[%add3A_161, %dma_start3A_167] : memref<204800x128xf32, #tpu.memory_space<hbm>> -> memref<128x128xf32, #tpu.memory_space<hbm>>
      %dma_start3A_169 = arith.constant 0 : i32
      %dma_start3A_170 = tpu.memref_slice %arg4[%add3A_161, %dma_start3A_169] : memref<204800x128xf32, #tpu.memory_space<hbm>> -> memref<128x128xf32, #tpu.memory_space<hbm>>
      %dma_start3A_171 = arith.constant 0 : i32
      %dma_start3A_172 = arith.constant 0 : i32
      %dma_start3A_173 = tpu.memref_slice %arg6[%dma_start3A_162, %dma_start3A_171, %dma_start3A_172] : memref<5x128x128xf32, #tpu.memory_space<vmem>> -> memref<1x128x128xf32, #tpu.memory_space<vmem>>
      %dma_start3A_174 = tpu.memref_squeeze %dma_start3A_173 : memref<1x128x128xf32, #tpu.memory_space<vmem>> -> memref<128x128xf32, #tpu.memory_space<vmem>>
      tpu.enqueue_dma source(%dma_start3A_174 : memref<128x128xf32, #tpu.memory_space<vmem>>) target(%dma_start3A_170 : memref<128x128xf32, #tpu.memory_space<hbm>>) target_semaphore(%arg8 : memref<!tpu.dma_semaphore, #tpu.memory_space<semaphore_mem>>)
      %ge3A = arith.constant 2 : i32
      %ge3A_175 = arith.cmpi sge, %add3A_146, %ge3A : i32
      %lt3A = arith.constant 47 : i32
      %lt3A_176 = arith.cmpi slt, %add3A_146, %lt3A : i32
      %and3A = arith.andi %ge3A_175, %lt3A_176 : i1
      %convert_element_type3A = arith.extui %and3A : i1 to i32
      %cond3A = arith.constant 0 : i32
      %cond3A_177 = arith.cmpi ne, %convert_element_type3A, %cond3A : i32
      scf.if %cond3A_177 {
        %dma_wait3A_330 = arith.constant 0 : i32
        %dma_wait3A_331 = arith.constant 0 : i32
        %dma_wait3A_332 = arith.constant 0 : i32
        %dma_wait3A_333 = tpu.memref_slice %arg6[%dma_wait3A_330, %dma_wait3A_331, %dma_wait3A_332] : memref<5x128x128xf32, #tpu.memory_space<vmem>> -> memref<1x128x128xf32, #tpu.memory_space<vmem>>
        %dma_wait3A_334 = tpu.memref_squeeze %dma_wait3A_333 : memref<1x128x128xf32, #tpu.memory_space<vmem>> -> memref<128x128xf32, #tpu.memory_space<vmem>>
        %dma_wait3A_335 = arith.constant 0 : i32
        %dma_wait3A_336 = arith.constant 0 : i32
        %dma_wait3A_337 = tpu.memref_slice %arg4[%dma_wait3A_335, %dma_wait3A_336] : memref<204800x128xf32, #tpu.memory_space<hbm>> -> memref<128x128xf32, #tpu.memory_space<hbm>>
        %dma_wait3A_338 = arith.constant 0 : i32
        %dma_wait3A_339 = arith.constant 0 : i32
        %dma_wait3A_340 = tpu.memref_slice %arg4[%dma_wait3A_338, %dma_wait3A_339] : memref<204800x128xf32, #tpu.memory_space<hbm>> -> memref<128x128xf32, #tpu.memory_space<hbm>>
        %dma_wait3A_341 = arith.constant 0 : i32
        %dma_wait3A_342 = arith.constant 0 : i32
        %dma_wait3A_343 = tpu.memref_slice %arg6[%dma_wait3A_330, %dma_wait3A_341, %dma_wait3A_342] : memref<5x128x128xf32, #tpu.memory_space<vmem>> -> memref<1x128x128xf32, #tpu.memory_space<vmem>>
        %dma_wait3A_344 = tpu.memref_squeeze %dma_wait3A_343 : memref<1x128x128xf32, #tpu.memory_space<vmem>> -> memref<128x128xf32, #tpu.memory_space<vmem>>
        tpu.wait_dma2 semaphore(%arg8 : memref<!tpu.dma_semaphore, #tpu.memory_space<semaphore_mem>>) src(%dma_wait3A_344 : memref<128x128xf32, #tpu.memory_space<vmem>>) dst(%dma_wait3A_340 : memref<128x128xf32, #tpu.memory_space<hbm>>)
        %add3A_345 = arith.constant 5 : i32
        %add3A_346 = arith.addi %add3A_146, %add3A_345 : i32
        %sub3A = arith.constant 2 : i32
        %sub3A_347 = arith.subi %add3A_346, %sub3A : i32
        %dma_start3A_348 = arith.constant 3 : i32
        %dma_start3A_349 = arith.constant 0 : i32
        %dma_start3A_350 = arith.constant 0 : i32
        %dma_start3A_351 = tpu.memref_slice %arg6[%dma_start3A_348, %dma_start3A_349, %dma_start3A_350] : memref<5x128x128xf32, #tpu.memory_space<vmem>> -> memref<1x128x128xf32, #tpu.memory_space<vmem>>
        %dma_start3A_352 = tpu.memref_squeeze %dma_start3A_351 : memref<1x128x128xf32, #tpu.memory_space<vmem>> -> memref<128x128xf32, #tpu.memory_space<vmem>>
        %dma_start3A_353 = arith.constant 0 : i32
        %dma_start3A_354 = tpu.memref_slice %arg5[%sub3A_347, %dma_start3A_353] : memref<50x128xi32, #tpu.memory_space<vmem>> -> memref<1x128xi32, #tpu.memory_space<vmem>>
        %dma_start3A_355 = tpu.memref_squeeze %dma_start3A_354 : memref<1x128xi32, #tpu.memory_space<vmem>> -> memref<128xi32, #tpu.memory_space<vmem>>
        %dma_start3A_356 = arith.constant 0 : i32
        %dma_start3A_357 = arith.constant 0 : i32
        %dma_start3A_358 = tpu.memref_slice %arg3[%dma_start3A_356, %dma_start3A_357] : memref<70873x128xf32, #tpu.memory_space<hbm>> -> memref<70873x128xf32, #tpu.memory_space<hbm>>
        tpu.enqueue_indirect_dma source(%dma_start3A_358 : memref<70873x128xf32, #tpu.memory_space<hbm>>) target(%dma_start3A_352 : memref<128x128xf32, #tpu.memory_space<vmem>>) offsets(%dma_start3A_355 : memref<128xi32, #tpu.memory_space<vmem>>) semaphore(%arg7 : memref<!tpu.dma_semaphore, #tpu.memory_space<semaphore_mem>>)
      } else {
      }
      %add3A_178 = arith.constant 1 : i32
      %add3A_179 = arith.addi %add3A_144, %add3A_178 : i32
      %dma_wait3A_180 = arith.constant 0 : i32
      %dma_wait3A_181 = arith.constant 1 : i32
      %dma_wait3A_182 = arith.constant 0 : i32
      %dma_wait3A_183 = arith.constant 0 : i32
      %dma_wait3A_184 = tpu.memref_slice %arg6[%dma_wait3A_181, %dma_wait3A_182, %dma_wait3A_183] : memref<5x128x128xf32, #tpu.memory_space<vmem>> -> memref<1x128x128xf32, #tpu.memory_space<vmem>>
      %dma_wait3A_185 = tpu.memref_squeeze %dma_wait3A_184 : memref<1x128x128xf32, #tpu.memory_space<vmem>> -> memref<128x128xf32, #tpu.memory_space<vmem>>
      %dma_wait3A_186 = arith.constant 0 : i32
      %dma_wait3A_187 = tpu.memref_slice %arg5[%dma_wait3A_180, %dma_wait3A_186] : memref<50x128xi32, #tpu.memory_space<vmem>> -> memref<1x128xi32, #tpu.memory_space<vmem>>
      %dma_wait3A_188 = tpu.memref_squeeze %dma_wait3A_187 : memref<1x128xi32, #tpu.memory_space<vmem>> -> memref<128xi32, #tpu.memory_space<vmem>>
      %dma_wait3A_189 = arith.constant 0 : i32
      %dma_wait3A_190 = arith.constant 0 : i32
      %dma_wait3A_191 = tpu.memref_slice %arg3[%dma_wait3A_189, %dma_wait3A_190] : memref<70873x128xf32, #tpu.memory_space<hbm>> -> memref<70873x128xf32, #tpu.memory_space<hbm>>
      tpu.wait_indirect_dma semaphore(%arg7 : memref<!tpu.dma_semaphore, #tpu.memory_space<semaphore_mem>>) src(%dma_wait3A_191 : memref<70873x128xf32, #tpu.memory_space<hbm>>) dst(%dma_wait3A_185 : memref<128x128xf32, #tpu.memory_space<vmem>>)
      %mul3A_192 = arith.constant 128 : i32
      %mul3A_193 = arith.muli %add3A_179, %mul3A_192 : i32
      %add3A_194 = arith.addi %mul3A_2, %mul3A_193 : i32
      %dma_start3A_195 = arith.constant 1 : i32
      %dma_start3A_196 = arith.constant 0 : i32
      %dma_start3A_197 = arith.constant 0 : i32
      %dma_start3A_198 = tpu.memref_slice %arg6[%dma_start3A_195, %dma_start3A_196, %dma_start3A_197] : memref<5x128x128xf32, #tpu.memory_space<vmem>> -> memref<1x128x128xf32, #tpu.memory_space<vmem>>
      %dma_start3A_199 = tpu.memref_squeeze %dma_start3A_198 : memref<1x128x128xf32, #tpu.memory_space<vmem>> -> memref<128x128xf32, #tpu.memory_space<vmem>>
      %dma_start3A_200 = arith.constant 0 : i32
      %dma_start3A_201 = tpu.memref_slice %arg4[%add3A_194, %dma_start3A_200] : memref<204800x128xf32, #tpu.memory_space<hbm>> -> memref<128x128xf32, #tpu.memory_space<hbm>>
      %dma_start3A_202 = arith.constant 0 : i32
      %dma_start3A_203 = tpu.memref_slice %arg4[%add3A_194, %dma_start3A_202] : memref<204800x128xf32, #tpu.memory_space<hbm>> -> memref<128x128xf32, #tpu.memory_space<hbm>>
      %dma_start3A_204 = arith.constant 0 : i32
      %dma_start3A_205 = arith.constant 0 : i32
      %dma_start3A_206 = tpu.memref_slice %arg6[%dma_start3A_195, %dma_start3A_204, %dma_start3A_205] : memref<5x128x128xf32, #tpu.memory_space<vmem>> -> memref<1x128x128xf32, #tpu.memory_space<vmem>>
      %dma_start3A_207 = tpu.memref_squeeze %dma_start3A_206 : memref<1x128x128xf32, #tpu.memory_space<vmem>> -> memref<128x128xf32, #tpu.memory_space<vmem>>
      tpu.enqueue_dma source(%dma_start3A_207 : memref<128x128xf32, #tpu.memory_space<vmem>>) target(%dma_start3A_203 : memref<128x128xf32, #tpu.memory_space<hbm>>) target_semaphore(%arg8 : memref<!tpu.dma_semaphore, #tpu.memory_space<semaphore_mem>>)
      %ge3A_208 = arith.constant 2 : i32
      %ge3A_209 = arith.cmpi sge, %add3A_179, %ge3A_208 : i32
      %lt3A_210 = arith.constant 47 : i32
      %lt3A_211 = arith.cmpi slt, %add3A_179, %lt3A_210 : i32
      %and3A_212 = arith.andi %ge3A_209, %lt3A_211 : i1
      %convert_element_type3A_213 = arith.extui %and3A_212 : i1 to i32
      %cond3A_214 = arith.constant 0 : i32
      %cond3A_215 = arith.cmpi ne, %convert_element_type3A_213, %cond3A_214 : i32
      scf.if %cond3A_215 {
        %dma_wait3A_330 = arith.constant 1 : i32
        %dma_wait3A_331 = arith.constant 0 : i32
        %dma_wait3A_332 = arith.constant 0 : i32
        %dma_wait3A_333 = tpu.memref_slice %arg6[%dma_wait3A_330, %dma_wait3A_331, %dma_wait3A_332] : memref<5x128x128xf32, #tpu.memory_space<vmem>> -> memref<1x128x128xf32, #tpu.memory_space<vmem>>
        %dma_wait3A_334 = tpu.memref_squeeze %dma_wait3A_333 : memref<1x128x128xf32, #tpu.memory_space<vmem>> -> memref<128x128xf32, #tpu.memory_space<vmem>>
        %dma_wait3A_335 = arith.constant 0 : i32
        %dma_wait3A_336 = arith.constant 0 : i32
        %dma_wait3A_337 = tpu.memref_slice %arg4[%dma_wait3A_335, %dma_wait3A_336] : memref<204800x128xf32, #tpu.memory_space<hbm>> -> memref<128x128xf32, #tpu.memory_space<hbm>>
        %dma_wait3A_338 = arith.constant 0 : i32
        %dma_wait3A_339 = arith.constant 0 : i32
        %dma_wait3A_340 = tpu.memref_slice %arg4[%dma_wait3A_338, %dma_wait3A_339] : memref<204800x128xf32, #tpu.memory_space<hbm>> -> memref<128x128xf32, #tpu.memory_space<hbm>>
        %dma_wait3A_341 = arith.constant 0 : i32
        %dma_wait3A_342 = arith.constant 0 : i32
        %dma_wait3A_343 = tpu.memref_slice %arg6[%dma_wait3A_330, %dma_wait3A_341, %dma_wait3A_342] : memref<5x128x128xf32, #tpu.memory_space<vmem>> -> memref<1x128x128xf32, #tpu.memory_space<vmem>>
        %dma_wait3A_344 = tpu.memref_squeeze %dma_wait3A_343 : memref<1x128x128xf32, #tpu.memory_space<vmem>> -> memref<128x128xf32, #tpu.memory_space<vmem>>
        tpu.wait_dma2 semaphore(%arg8 : memref<!tpu.dma_semaphore, #tpu.memory_space<semaphore_mem>>) src(%dma_wait3A_344 : memref<128x128xf32, #tpu.memory_space<vmem>>) dst(%dma_wait3A_340 : memref<128x128xf32, #tpu.memory_space<hbm>>)
        %add3A_345 = arith.constant 5 : i32
        %add3A_346 = arith.addi %add3A_179, %add3A_345 : i32
        %sub3A = arith.constant 2 : i32
        %sub3A_347 = arith.subi %add3A_346, %sub3A : i32
        %dma_start3A_348 = arith.constant 4 : i32
        %dma_start3A_349 = arith.constant 0 : i32
        %dma_start3A_350 = arith.constant 0 : i32
        %dma_start3A_351 = tpu.memref_slice %arg6[%dma_start3A_348, %dma_start3A_349, %dma_start3A_350] : memref<5x128x128xf32, #tpu.memory_space<vmem>> -> memref<1x128x128xf32, #tpu.memory_space<vmem>>
        %dma_start3A_352 = tpu.memref_squeeze %dma_start3A_351 : memref<1x128x128xf32, #tpu.memory_space<vmem>> -> memref<128x128xf32, #tpu.memory_space<vmem>>
        %dma_start3A_353 = arith.constant 0 : i32
        %dma_start3A_354 = tpu.memref_slice %arg5[%sub3A_347, %dma_start3A_353] : memref<50x128xi32, #tpu.memory_space<vmem>> -> memref<1x128xi32, #tpu.memory_space<vmem>>
        %dma_start3A_355 = tpu.memref_squeeze %dma_start3A_354 : memref<1x128xi32, #tpu.memory_space<vmem>> -> memref<128xi32, #tpu.memory_space<vmem>>
        %dma_start3A_356 = arith.constant 0 : i32
        %dma_start3A_357 = arith.constant 0 : i32
        %dma_start3A_358 = tpu.memref_slice %arg3[%dma_start3A_356, %dma_start3A_357] : memref<70873x128xf32, #tpu.memory_space<hbm>> -> memref<70873x128xf32, #tpu.memory_space<hbm>>
        tpu.enqueue_indirect_dma source(%dma_start3A_358 : memref<70873x128xf32, #tpu.memory_space<hbm>>) target(%dma_start3A_352 : memref<128x128xf32, #tpu.memory_space<vmem>>) offsets(%dma_start3A_355 : memref<128xi32, #tpu.memory_space<vmem>>) semaphore(%arg7 : memref<!tpu.dma_semaphore, #tpu.memory_space<semaphore_mem>>)
      } else {
      }
      %add3A_216 = arith.constant 2 : i32
      %add3A_217 = arith.addi %add3A_144, %add3A_216 : i32
      %dma_wait3A_218 = arith.constant 0 : i32
      %dma_wait3A_219 = arith.constant 2 : i32
      %dma_wait3A_220 = arith.constant 0 : i32
      %dma_wait3A_221 = arith.constant 0 : i32
      %dma_wait3A_222 = tpu.memref_slice %arg6[%dma_wait3A_219, %dma_wait3A_220, %dma_wait3A_221] : memref<5x128x128xf32, #tpu.memory_space<vmem>> -> memref<1x128x128xf32, #tpu.memory_space<vmem>>
      %dma_wait3A_223 = tpu.memref_squeeze %dma_wait3A_222 : memref<1x128x128xf32, #tpu.memory_space<vmem>> -> memref<128x128xf32, #tpu.memory_space<vmem>>
      %dma_wait3A_224 = arith.constant 0 : i32
      %dma_wait3A_225 = tpu.memref_slice %arg5[%dma_wait3A_218, %dma_wait3A_224] : memref<50x128xi32, #tpu.memory_space<vmem>> -> memref<1x128xi32, #tpu.memory_space<vmem>>
      %dma_wait3A_226 = tpu.memref_squeeze %dma_wait3A_225 : memref<1x128xi32, #tpu.memory_space<vmem>> -> memref<128xi32, #tpu.memory_space<vmem>>
      %dma_wait3A_227 = arith.constant 0 : i32
      %dma_wait3A_228 = arith.constant 0 : i32
      %dma_wait3A_229 = tpu.memref_slice %arg3[%dma_wait3A_227, %dma_wait3A_228] : memref<70873x128xf32, #tpu.memory_space<hbm>> -> memref<70873x128xf32, #tpu.memory_space<hbm>>
      tpu.wait_indirect_dma semaphore(%arg7 : memref<!tpu.dma_semaphore, #tpu.memory_space<semaphore_mem>>) src(%dma_wait3A_229 : memref<70873x128xf32, #tpu.memory_space<hbm>>) dst(%dma_wait3A_223 : memref<128x128xf32, #tpu.memory_space<vmem>>)
      %mul3A_230 = arith.constant 128 : i32
      %mul3A_231 = arith.muli %add3A_217, %mul3A_230 : i32
      %add3A_232 = arith.addi %mul3A_2, %mul3A_231 : i32
      %dma_start3A_233 = arith.constant 2 : i32
      %dma_start3A_234 = arith.constant 0 : i32
      %dma_start3A_235 = arith.constant 0 : i32
      %dma_start3A_236 = tpu.memref_slice %arg6[%dma_start3A_233, %dma_start3A_234, %dma_start3A_235] : memref<5x128x128xf32, #tpu.memory_space<vmem>> -> memref<1x128x128xf32, #tpu.memory_space<vmem>>
      %dma_start3A_237 = tpu.memref_squeeze %dma_start3A_236 : memref<1x128x128xf32, #tpu.memory_space<vmem>> -> memref<128x128xf32, #tpu.memory_space<vmem>>
      %dma_start3A_238 = arith.constant 0 : i32
      %dma_start3A_239 = tpu.memref_slice %arg4[%add3A_232, %dma_start3A_238] : memref<204800x128xf32, #tpu.memory_space<hbm>> -> memref<128x128xf32, #tpu.memory_space<hbm>>
      %dma_start3A_240 = arith.constant 0 : i32
      %dma_start3A_241 = tpu.memref_slice %arg4[%add3A_232, %dma_start3A_240] : memref<204800x128xf32, #tpu.memory_space<hbm>> -> memref<128x128xf32, #tpu.memory_space<hbm>>
      %dma_start3A_242 = arith.constant 0 : i32
      %dma_start3A_243 = arith.constant 0 : i32
      %dma_start3A_244 = tpu.memref_slice %arg6[%dma_start3A_233, %dma_start3A_242, %dma_start3A_243] : memref<5x128x128xf32, #tpu.memory_space<vmem>> -> memref<1x128x128xf32, #tpu.memory_space<vmem>>
      %dma_start3A_245 = tpu.memref_squeeze %dma_start3A_244 : memref<1x128x128xf32, #tpu.memory_space<vmem>> -> memref<128x128xf32, #tpu.memory_space<vmem>>
      tpu.enqueue_dma source(%dma_start3A_245 : memref<128x128xf32, #tpu.memory_space<vmem>>) target(%dma_start3A_241 : memref<128x128xf32, #tpu.memory_space<hbm>>) target_semaphore(%arg8 : memref<!tpu.dma_semaphore, #tpu.memory_space<semaphore_mem>>)
      %ge3A_246 = arith.constant 2 : i32
      %ge3A_247 = arith.cmpi sge, %add3A_217, %ge3A_246 : i32
      %lt3A_248 = arith.constant 47 : i32
      %lt3A_249 = arith.cmpi slt, %add3A_217, %lt3A_248 : i32
      %and3A_250 = arith.andi %ge3A_247, %lt3A_249 : i1
      %convert_element_type3A_251 = arith.extui %and3A_250 : i1 to i32
      %cond3A_252 = arith.constant 0 : i32
      %cond3A_253 = arith.cmpi ne, %convert_element_type3A_251, %cond3A_252 : i32
      scf.if %cond3A_253 {
        %dma_wait3A_330 = arith.constant 2 : i32
        %dma_wait3A_331 = arith.constant 0 : i32
        %dma_wait3A_332 = arith.constant 0 : i32
        %dma_wait3A_333 = tpu.memref_slice %arg6[%dma_wait3A_330, %dma_wait3A_331, %dma_wait3A_332] : memref<5x128x128xf32, #tpu.memory_space<vmem>> -> memref<1x128x128xf32, #tpu.memory_space<vmem>>
        %dma_wait3A_334 = tpu.memref_squeeze %dma_wait3A_333 : memref<1x128x128xf32, #tpu.memory_space<vmem>> -> memref<128x128xf32, #tpu.memory_space<vmem>>
        %dma_wait3A_335 = arith.constant 0 : i32
        %dma_wait3A_336 = arith.constant 0 : i32
        %dma_wait3A_337 = tpu.memref_slice %arg4[%dma_wait3A_335, %dma_wait3A_336] : memref<204800x128xf32, #tpu.memory_space<hbm>> -> memref<128x128xf32, #tpu.memory_space<hbm>>
        %dma_wait3A_338 = arith.constant 0 : i32
        %dma_wait3A_339 = arith.constant 0 : i32
        %dma_wait3A_340 = tpu.memref_slice %arg4[%dma_wait3A_338, %dma_wait3A_339] : memref<204800x128xf32, #tpu.memory_space<hbm>> -> memref<128x128xf32, #tpu.memory_space<hbm>>
        %dma_wait3A_341 = arith.constant 0 : i32
        %dma_wait3A_342 = arith.constant 0 : i32
        %dma_wait3A_343 = tpu.memref_slice %arg6[%dma_wait3A_330, %dma_wait3A_341, %dma_wait3A_342] : memref<5x128x128xf32, #tpu.memory_space<vmem>> -> memref<1x128x128xf32, #tpu.memory_space<vmem>>
        %dma_wait3A_344 = tpu.memref_squeeze %dma_wait3A_343 : memref<1x128x128xf32, #tpu.memory_space<vmem>> -> memref<128x128xf32, #tpu.memory_space<vmem>>
        tpu.wait_dma2 semaphore(%arg8 : memref<!tpu.dma_semaphore, #tpu.memory_space<semaphore_mem>>) src(%dma_wait3A_344 : memref<128x128xf32, #tpu.memory_space<vmem>>) dst(%dma_wait3A_340 : memref<128x128xf32, #tpu.memory_space<hbm>>)
        %add3A_345 = arith.constant 5 : i32
        %add3A_346 = arith.addi %add3A_217, %add3A_345 : i32
        %sub3A = arith.constant 2 : i32
        %sub3A_347 = arith.subi %add3A_346, %sub3A : i32
        %dma_start3A_348 = arith.constant 0 : i32
        %dma_start3A_349 = arith.constant 0 : i32
        %dma_start3A_350 = arith.constant 0 : i32
        %dma_start3A_351 = tpu.memref_slice %arg6[%dma_start3A_348, %dma_start3A_349, %dma_start3A_350] : memref<5x128x128xf32, #tpu.memory_space<vmem>> -> memref<1x128x128xf32, #tpu.memory_space<vmem>>
        %dma_start3A_352 = tpu.memref_squeeze %dma_start3A_351 : memref<1x128x128xf32, #tpu.memory_space<vmem>> -> memref<128x128xf32, #tpu.memory_space<vmem>>
        %dma_start3A_353 = arith.constant 0 : i32
        %dma_start3A_354 = tpu.memref_slice %arg5[%sub3A_347, %dma_start3A_353] : memref<50x128xi32, #tpu.memory_space<vmem>> -> memref<1x128xi32, #tpu.memory_space<vmem>>
        %dma_start3A_355 = tpu.memref_squeeze %dma_start3A_354 : memref<1x128xi32, #tpu.memory_space<vmem>> -> memref<128xi32, #tpu.memory_space<vmem>>
        %dma_start3A_356 = arith.constant 0 : i32
        %dma_start3A_357 = arith.constant 0 : i32
        %dma_start3A_358 = tpu.memref_slice %arg3[%dma_start3A_356, %dma_start3A_357] : memref<70873x128xf32, #tpu.memory_space<hbm>> -> memref<70873x128xf32, #tpu.memory_space<hbm>>
        tpu.enqueue_indirect_dma source(%dma_start3A_358 : memref<70873x128xf32, #tpu.memory_space<hbm>>) target(%dma_start3A_352 : memref<128x128xf32, #tpu.memory_space<vmem>>) offsets(%dma_start3A_355 : memref<128xi32, #tpu.memory_space<vmem>>) semaphore(%arg7 : memref<!tpu.dma_semaphore, #tpu.memory_space<semaphore_mem>>)
      } else {
      }
      %add3A_254 = arith.constant 3 : i32
      %add3A_255 = arith.addi %add3A_144, %add3A_254 : i32
      %dma_wait3A_256 = arith.constant 0 : i32
      %dma_wait3A_257 = arith.constant 3 : i32
      %dma_wait3A_258 = arith.constant 0 : i32
      %dma_wait3A_259 = arith.constant 0 : i32
      %dma_wait3A_260 = tpu.memref_slice %arg6[%dma_wait3A_257, %dma_wait3A_258, %dma_wait3A_259] : memref<5x128x128xf32, #tpu.memory_space<vmem>> -> memref<1x128x128xf32, #tpu.memory_space<vmem>>
      %dma_wait3A_261 = tpu.memref_squeeze %dma_wait3A_260 : memref<1x128x128xf32, #tpu.memory_space<vmem>> -> memref<128x128xf32, #tpu.memory_space<vmem>>
      %dma_wait3A_262 = arith.constant 0 : i32
      %dma_wait3A_263 = tpu.memref_slice %arg5[%dma_wait3A_256, %dma_wait3A_262] : memref<50x128xi32, #tpu.memory_space<vmem>> -> memref<1x128xi32, #tpu.memory_space<vmem>>
      %dma_wait3A_264 = tpu.memref_squeeze %dma_wait3A_263 : memref<1x128xi32, #tpu.memory_space<vmem>> -> memref<128xi32, #tpu.memory_space<vmem>>
      %dma_wait3A_265 = arith.constant 0 : i32
      %dma_wait3A_266 = arith.constant 0 : i32
      %dma_wait3A_267 = tpu.memref_slice %arg3[%dma_wait3A_265, %dma_wait3A_266] : memref<70873x128xf32, #tpu.memory_space<hbm>> -> memref<70873x128xf32, #tpu.memory_space<hbm>>
      tpu.wait_indirect_dma semaphore(%arg7 : memref<!tpu.dma_semaphore, #tpu.memory_space<semaphore_mem>>) src(%dma_wait3A_267 : memref<70873x128xf32, #tpu.memory_space<hbm>>) dst(%dma_wait3A_261 : memref<128x128xf32, #tpu.memory_space<vmem>>)
      %mul3A_268 = arith.constant 128 : i32
      %mul3A_269 = arith.muli %add3A_255, %mul3A_268 : i32
      %add3A_270 = arith.addi %mul3A_2, %mul3A_269 : i32
      %dma_start3A_271 = arith.constant 3 : i32
      %dma_start3A_272 = arith.constant 0 : i32
      %dma_start3A_273 = arith.constant 0 : i32
      %dma_start3A_274 = tpu.memref_slice %arg6[%dma_start3A_271, %dma_start3A_272, %dma_start3A_273] : memref<5x128x128xf32, #tpu.memory_space<vmem>> -> memref<1x128x128xf32, #tpu.memory_space<vmem>>
      %dma_start3A_275 = tpu.memref_squeeze %dma_start3A_274 : memref<1x128x128xf32, #tpu.memory_space<vmem>> -> memref<128x128xf32, #tpu.memory_space<vmem>>
      %dma_start3A_276 = arith.constant 0 : i32
      %dma_start3A_277 = tpu.memref_slice %arg4[%add3A_270, %dma_start3A_276] : memref<204800x128xf32, #tpu.memory_space<hbm>> -> memref<128x128xf32, #tpu.memory_space<hbm>>
      %dma_start3A_278 = arith.constant 0 : i32
      %dma_start3A_279 = tpu.memref_slice %arg4[%add3A_270, %dma_start3A_278] : memref<204800x128xf32, #tpu.memory_space<hbm>> -> memref<128x128xf32, #tpu.memory_space<hbm>>
      %dma_start3A_280 = arith.constant 0 : i32
      %dma_start3A_281 = arith.constant 0 : i32
      %dma_start3A_282 = tpu.memref_slice %arg6[%dma_start3A_271, %dma_start3A_280, %dma_start3A_281] : memref<5x128x128xf32, #tpu.memory_space<vmem>> -> memref<1x128x128xf32, #tpu.memory_space<vmem>>
      %dma_start3A_283 = tpu.memref_squeeze %dma_start3A_282 : memref<1x128x128xf32, #tpu.memory_space<vmem>> -> memref<128x128xf32, #tpu.memory_space<vmem>>
      tpu.enqueue_dma source(%dma_start3A_283 : memref<128x128xf32, #tpu.memory_space<vmem>>) target(%dma_start3A_279 : memref<128x128xf32, #tpu.memory_space<hbm>>) target_semaphore(%arg8 : memref<!tpu.dma_semaphore, #tpu.memory_space<semaphore_mem>>)
      %ge3A_284 = arith.constant 2 : i32
      %ge3A_285 = arith.cmpi sge, %add3A_255, %ge3A_284 : i32
      %lt3A_286 = arith.constant 47 : i32
      %lt3A_287 = arith.cmpi slt, %add3A_255, %lt3A_286 : i32
      %and3A_288 = arith.andi %ge3A_285, %lt3A_287 : i1
      %convert_element_type3A_289 = arith.extui %and3A_288 : i1 to i32
      %cond3A_290 = arith.constant 0 : i32
      %cond3A_291 = arith.cmpi ne, %convert_element_type3A_289, %cond3A_290 : i32
      scf.if %cond3A_291 {
        %dma_wait3A_330 = arith.constant 3 : i32
        %dma_wait3A_331 = arith.constant 0 : i32
        %dma_wait3A_332 = arith.constant 0 : i32
        %dma_wait3A_333 = tpu.memref_slice %arg6[%dma_wait3A_330, %dma_wait3A_331, %dma_wait3A_332] : memref<5x128x128xf32, #tpu.memory_space<vmem>> -> memref<1x128x128xf32, #tpu.memory_space<vmem>>
        %dma_wait3A_334 = tpu.memref_squeeze %dma_wait3A_333 : memref<1x128x128xf32, #tpu.memory_space<vmem>> -> memref<128x128xf32, #tpu.memory_space<vmem>>
        %dma_wait3A_335 = arith.constant 0 : i32
        %dma_wait3A_336 = arith.constant 0 : i32
        %dma_wait3A_337 = tpu.memref_slice %arg4[%dma_wait3A_335, %dma_wait3A_336] : memref<204800x128xf32, #tpu.memory_space<hbm>> -> memref<128x128xf32, #tpu.memory_space<hbm>>
        %dma_wait3A_338 = arith.constant 0 : i32
        %dma_wait3A_339 = arith.constant 0 : i32
        %dma_wait3A_340 = tpu.memref_slice %arg4[%dma_wait3A_338, %dma_wait3A_339] : memref<204800x128xf32, #tpu.memory_space<hbm>> -> memref<128x128xf32, #tpu.memory_space<hbm>>
        %dma_wait3A_341 = arith.constant 0 : i32
        %dma_wait3A_342 = arith.constant 0 : i32
        %dma_wait3A_343 = tpu.memref_slice %arg6[%dma_wait3A_330, %dma_wait3A_341, %dma_wait3A_342] : memref<5x128x128xf32, #tpu.memory_space<vmem>> -> memref<1x128x128xf32, #tpu.memory_space<vmem>>
        %dma_wait3A_344 = tpu.memref_squeeze %dma_wait3A_343 : memref<1x128x128xf32, #tpu.memory_space<vmem>> -> memref<128x128xf32, #tpu.memory_space<vmem>>
        tpu.wait_dma2 semaphore(%arg8 : memref<!tpu.dma_semaphore, #tpu.memory_space<semaphore_mem>>) src(%dma_wait3A_344 : memref<128x128xf32, #tpu.memory_space<vmem>>) dst(%dma_wait3A_340 : memref<128x128xf32, #tpu.memory_space<hbm>>)
        %add3A_345 = arith.constant 5 : i32
        %add3A_346 = arith.addi %add3A_255, %add3A_345 : i32
        %sub3A = arith.constant 2 : i32
        %sub3A_347 = arith.subi %add3A_346, %sub3A : i32
        %dma_start3A_348 = arith.constant 1 : i32
        %dma_start3A_349 = arith.constant 0 : i32
        %dma_start3A_350 = arith.constant 0 : i32
        %dma_start3A_351 = tpu.memref_slice %arg6[%dma_start3A_348, %dma_start3A_349, %dma_start3A_350] : memref<5x128x128xf32, #tpu.memory_space<vmem>> -> memref<1x128x128xf32, #tpu.memory_space<vmem>>
        %dma_start3A_352 = tpu.memref_squeeze %dma_start3A_351 : memref<1x128x128xf32, #tpu.memory_space<vmem>> -> memref<128x128xf32, #tpu.memory_space<vmem>>
        %dma_start3A_353 = arith.constant 0 : i32
        %dma_start3A_354 = tpu.memref_slice %arg5[%sub3A_347, %dma_start3A_353] : memref<50x128xi32, #tpu.memory_space<vmem>> -> memref<1x128xi32, #tpu.memory_space<vmem>>
        %dma_start3A_355 = tpu.memref_squeeze %dma_start3A_354 : memref<1x128xi32, #tpu.memory_space<vmem>> -> memref<128xi32, #tpu.memory_space<vmem>>
        %dma_start3A_356 = arith.constant 0 : i32
        %dma_start3A_357 = arith.constant 0 : i32
        %dma_start3A_358 = tpu.memref_slice %arg3[%dma_start3A_356, %dma_start3A_357] : memref<70873x128xf32, #tpu.memory_space<hbm>> -> memref<70873x128xf32, #tpu.memory_space<hbm>>
        tpu.enqueue_indirect_dma source(%dma_start3A_358 : memref<70873x128xf32, #tpu.memory_space<hbm>>) target(%dma_start3A_352 : memref<128x128xf32, #tpu.memory_space<vmem>>) offsets(%dma_start3A_355 : memref<128xi32, #tpu.memory_space<vmem>>) semaphore(%arg7 : memref<!tpu.dma_semaphore, #tpu.memory_space<semaphore_mem>>)
      } else {
      }
      %add3A_292 = arith.constant 4 : i32
      %add3A_293 = arith.addi %add3A_144, %add3A_292 : i32
      %dma_wait3A_294 = arith.constant 0 : i32
      %dma_wait3A_295 = arith.constant 4 : i32
      %dma_wait3A_296 = arith.constant 0 : i32
      %dma_wait3A_297 = arith.constant 0 : i32
      %dma_wait3A_298 = tpu.memref_slice %arg6[%dma_wait3A_295, %dma_wait3A_296, %dma_wait3A_297] : memref<5x128x128xf32, #tpu.memory_space<vmem>> -> memref<1x128x128xf32, #tpu.memory_space<vmem>>
      %dma_wait3A_299 = tpu.memref_squeeze %dma_wait3A_298 : memref<1x128x128xf32, #tpu.memory_space<vmem>> -> memref<128x128xf32, #tpu.memory_space<vmem>>
      %dma_wait3A_300 = arith.constant 0 : i32
      %dma_wait3A_301 = tpu.memref_slice %arg5[%dma_wait3A_294, %dma_wait3A_300] : memref<50x128xi32, #tpu.memory_space<vmem>> -> memref<1x128xi32, #tpu.memory_space<vmem>>
      %dma_wait3A_302 = tpu.memref_squeeze %dma_wait3A_301 : memref<1x128xi32, #tpu.memory_space<vmem>> -> memref<128xi32, #tpu.memory_space<vmem>>
      %dma_wait3A_303 = arith.constant 0 : i32
      %dma_wait3A_304 = arith.constant 0 : i32
      %dma_wait3A_305 = tpu.memref_slice %arg3[%dma_wait3A_303, %dma_wait3A_304] : memref<70873x128xf32, #tpu.memory_space<hbm>> -> memref<70873x128xf32, #tpu.memory_space<hbm>>
      tpu.wait_indirect_dma semaphore(%arg7 : memref<!tpu.dma_semaphore, #tpu.memory_space<semaphore_mem>>) src(%dma_wait3A_305 : memref<70873x128xf32, #tpu.memory_space<hbm>>) dst(%dma_wait3A_299 : memref<128x128xf32, #tpu.memory_space<vmem>>)
      %mul3A_306 = arith.constant 128 : i32
      %mul3A_307 = arith.muli %add3A_293, %mul3A_306 : i32
      %add3A_308 = arith.addi %mul3A_2, %mul3A_307 : i32
      %dma_start3A_309 = arith.constant 4 : i32
      %dma_start3A_310 = arith.constant 0 : i32
      %dma_start3A_311 = arith.constant 0 : i32
      %dma_start3A_312 = tpu.memref_slice %arg6[%dma_start3A_309, %dma_start3A_310, %dma_start3A_311] : memref<5x128x128xf32, #tpu.memory_space<vmem>> -> memref<1x128x128xf32, #tpu.memory_space<vmem>>
      %dma_start3A_313 = tpu.memref_squeeze %dma_start3A_312 : memref<1x128x128xf32, #tpu.memory_space<vmem>> -> memref<128x128xf32, #tpu.memory_space<vmem>>
      %dma_start3A_314 = arith.constant 0 : i32
      %dma_start3A_315 = tpu.memref_slice %arg4[%add3A_308, %dma_start3A_314] : memref<204800x128xf32, #tpu.memory_space<hbm>> -> memref<128x128xf32, #tpu.memory_space<hbm>>
      %dma_start3A_316 = arith.constant 0 : i32
      %dma_start3A_317 = tpu.memref_slice %arg4[%add3A_308, %dma_start3A_316] : memref<204800x128xf32, #tpu.memory_space<hbm>> -> memref<128x128xf32, #tpu.memory_space<hbm>>
      %dma_start3A_318 = arith.constant 0 : i32
      %dma_start3A_319 = arith.constant 0 : i32
      %dma_start3A_320 = tpu.memref_slice %arg6[%dma_start3A_309, %dma_start3A_318, %dma_start3A_319] : memref<5x128x128xf32, #tpu.memory_space<vmem>> -> memref<1x128x128xf32, #tpu.memory_space<vmem>>
      %dma_start3A_321 = tpu.memref_squeeze %dma_start3A_320 : memref<1x128x128xf32, #tpu.memory_space<vmem>> -> memref<128x128xf32, #tpu.memory_space<vmem>>
      tpu.enqueue_dma source(%dma_start3A_321 : memref<128x128xf32, #tpu.memory_space<vmem>>) target(%dma_start3A_317 : memref<128x128xf32, #tpu.memory_space<hbm>>) target_semaphore(%arg8 : memref<!tpu.dma_semaphore, #tpu.memory_space<semaphore_mem>>)
      %ge3A_322 = arith.constant 2 : i32
      %ge3A_323 = arith.cmpi sge, %add3A_293, %ge3A_322 : i32
      %lt3A_324 = arith.constant 47 : i32
      %lt3A_325 = arith.cmpi slt, %add3A_293, %lt3A_324 : i32
      %and3A_326 = arith.andi %ge3A_323, %lt3A_325 : i1
      %convert_element_type3A_327 = arith.extui %and3A_326 : i1 to i32
      %cond3A_328 = arith.constant 0 : i32
      %cond3A_329 = arith.cmpi ne, %convert_element_type3A_327, %cond3A_328 : i32
      scf.if %cond3A_329 {
        %dma_wait3A_330 = arith.constant 4 : i32
        %dma_wait3A_331 = arith.constant 0 : i32
        %dma_wait3A_332 = arith.constant 0 : i32
        %dma_wait3A_333 = tpu.memref_slice %arg6[%dma_wait3A_330, %dma_wait3A_331, %dma_wait3A_332] : memref<5x128x128xf32, #tpu.memory_space<vmem>> -> memref<1x128x128xf32, #tpu.memory_space<vmem>>
        %dma_wait3A_334 = tpu.memref_squeeze %dma_wait3A_333 : memref<1x128x128xf32, #tpu.memory_space<vmem>> -> memref<128x128xf32, #tpu.memory_space<vmem>>
        %dma_wait3A_335 = arith.constant 0 : i32
        %dma_wait3A_336 = arith.constant 0 : i32
        %dma_wait3A_337 = tpu.memref_slice %arg4[%dma_wait3A_335, %dma_wait3A_336] : memref<204800x128xf32, #tpu.memory_space<hbm>> -> memref<128x128xf32, #tpu.memory_space<hbm>>
        %dma_wait3A_338 = arith.constant 0 : i32
        %dma_wait3A_339 = arith.constant 0 : i32
        %dma_wait3A_340 = tpu.memref_slice %arg4[%dma_wait3A_338, %dma_wait3A_339] : memref<204800x128xf32, #tpu.memory_space<hbm>> -> memref<128x128xf32, #tpu.memory_space<hbm>>
        %dma_wait3A_341 = arith.constant 0 : i32
        %dma_wait3A_342 = arith.constant 0 : i32
        %dma_wait3A_343 = tpu.memref_slice %arg6[%dma_wait3A_330, %dma_wait3A_341, %dma_wait3A_342] : memref<5x128x128xf32, #tpu.memory_space<vmem>> -> memref<1x128x128xf32, #tpu.memory_space<vmem>>
        %dma_wait3A_344 = tpu.memref_squeeze %dma_wait3A_343 : memref<1x128x128xf32, #tpu.memory_space<vmem>> -> memref<128x128xf32, #tpu.memory_space<vmem>>
        tpu.wait_dma2 semaphore(%arg8 : memref<!tpu.dma_semaphore, #tpu.memory_space<semaphore_mem>>) src(%dma_wait3A_344 : memref<128x128xf32, #tpu.memory_space<vmem>>) dst(%dma_wait3A_340 : memref<128x128xf32, #tpu.memory_space<hbm>>)
        %add3A_345 = arith.constant 5 : i32
        %add3A_346 = arith.addi %add3A_293, %add3A_345 : i32
        %sub3A = arith.constant 2 : i32
        %sub3A_347 = arith.subi %add3A_346, %sub3A : i32
        %dma_start3A_348 = arith.constant 2 : i32
        %dma_start3A_349 = arith.constant 0 : i32
        %dma_start3A_350 = arith.constant 0 : i32
        %dma_start3A_351 = tpu.memref_slice %arg6[%dma_start3A_348, %dma_start3A_349, %dma_start3A_350] : memref<5x128x128xf32, #tpu.memory_space<vmem>> -> memref<1x128x128xf32, #tpu.memory_space<vmem>>
        %dma_start3A_352 = tpu.memref_squeeze %dma_start3A_351 : memref<1x128x128xf32, #tpu.memory_space<vmem>> -> memref<128x128xf32, #tpu.memory_space<vmem>>
        %dma_start3A_353 = arith.constant 0 : i32
        %dma_start3A_354 = tpu.memref_slice %arg5[%sub3A_347, %dma_start3A_353] : memref<50x128xi32, #tpu.memory_space<vmem>> -> memref<1x128xi32, #tpu.memory_space<vmem>>
        %dma_start3A_355 = tpu.memref_squeeze %dma_start3A_354 : memref<1x128xi32, #tpu.memory_space<vmem>> -> memref<128xi32, #tpu.memory_space<vmem>>
        %dma_start3A_356 = arith.constant 0 : i32
        %dma_start3A_357 = arith.constant 0 : i32
        %dma_start3A_358 = tpu.memref_slice %arg3[%dma_start3A_356, %dma_start3A_357] : memref<70873x128xf32, #tpu.memory_space<hbm>> -> memref<70873x128xf32, #tpu.memory_space<hbm>>
        tpu.enqueue_indirect_dma source(%dma_start3A_358 : memref<70873x128xf32, #tpu.memory_space<hbm>>) target(%dma_start3A_352 : memref<128x128xf32, #tpu.memory_space<vmem>>) offsets(%dma_start3A_355 : memref<128xi32, #tpu.memory_space<vmem>>) semaphore(%arg7 : memref<!tpu.dma_semaphore, #tpu.memory_space<semaphore_mem>>)
      } else {
      }
    }
    %scan3A_65 = arith.constant 10 : i32
    %dma_wait3A = arith.constant 0 : i32
    %dma_wait3A_66 = arith.constant 0 : i32
    %dma_wait3A_67 = arith.constant 0 : i32
    %dma_wait3A_68 = tpu.memref_slice %arg6[%dma_wait3A, %dma_wait3A_66, %dma_wait3A_67] : memref<5x128x128xf32, #tpu.memory_space<vmem>> -> memref<1x128x128xf32, #tpu.memory_space<vmem>>
    %dma_wait3A_69 = tpu.memref_squeeze %dma_wait3A_68 : memref<1x128x128xf32, #tpu.memory_space<vmem>> -> memref<128x128xf32, #tpu.memory_space<vmem>>
    %dma_wait3A_70 = arith.constant 0 : i32
    %dma_wait3A_71 = arith.constant 0 : i32
    %dma_wait3A_72 = tpu.memref_slice %arg4[%dma_wait3A_70, %dma_wait3A_71] : memref<204800x128xf32, #tpu.memory_space<hbm>> -> memref<128x128xf32, #tpu.memory_space<hbm>>
    %dma_wait3A_73 = arith.constant 0 : i32
    %dma_wait3A_74 = arith.constant 0 : i32
    %dma_wait3A_75 = tpu.memref_slice %arg4[%dma_wait3A_73, %dma_wait3A_74] : memref<204800x128xf32, #tpu.memory_space<hbm>> -> memref<128x128xf32, #tpu.memory_space<hbm>>
    %dma_wait3A_76 = arith.constant 0 : i32
    %dma_wait3A_77 = arith.constant 0 : i32
    %dma_wait3A_78 = tpu.memref_slice %arg6[%dma_wait3A, %dma_wait3A_76, %dma_wait3A_77] : memref<5x128x128xf32, #tpu.memory_space<vmem>> -> memref<1x128x128xf32, #tpu.memory_space<vmem>>
    %dma_wait3A_79 = tpu.memref_squeeze %dma_wait3A_78 : memref<1x128x128xf32, #tpu.memory_space<vmem>> -> memref<128x128xf32, #tpu.memory_space<vmem>>
    tpu.wait_dma2 semaphore(%arg8 : memref<!tpu.dma_semaphore, #tpu.memory_space<semaphore_mem>>) src(%dma_wait3A_79 : memref<128x128xf32, #tpu.memory_space<vmem>>) dst(%dma_wait3A_75 : memref<128x128xf32, #tpu.memory_space<hbm>>)
    %dma_wait3A_80 = arith.constant 1 : i32
    %dma_wait3A_81 = arith.constant 0 : i32
    %dma_wait3A_82 = arith.constant 0 : i32
    %dma_wait3A_83 = tpu.memref_slice %arg6[%dma_wait3A_80, %dma_wait3A_81, %dma_wait3A_82] : memref<5x128x128xf32, #tpu.memory_space<vmem>> -> memref<1x128x128xf32, #tpu.memory_space<vmem>>
    %dma_wait3A_84 = tpu.memref_squeeze %dma_wait3A_83 : memref<1x128x128xf32, #tpu.memory_space<vmem>> -> memref<128x128xf32, #tpu.memory_space<vmem>>
    %dma_wait3A_85 = arith.constant 0 : i32
    %dma_wait3A_86 = arith.constant 0 : i32
    %dma_wait3A_87 = tpu.memref_slice %arg4[%dma_wait3A_85, %dma_wait3A_86] : memref<204800x128xf32, #tpu.memory_space<hbm>> -> memref<128x128xf32, #tpu.memory_space<hbm>>
    %dma_wait3A_88 = arith.constant 0 : i32
    %dma_wait3A_89 = arith.constant 0 : i32
    %dma_wait3A_90 = tpu.memref_slice %arg4[%dma_wait3A_88, %dma_wait3A_89] : memref<204800x128xf32, #tpu.memory_space<hbm>> -> memref<128x128xf32, #tpu.memory_space<hbm>>
    %dma_wait3A_91 = arith.constant 0 : i32
    %dma_wait3A_92 = arith.constant 0 : i32
    %dma_wait3A_93 = tpu.memref_slice %arg6[%dma_wait3A_80, %dma_wait3A_91, %dma_wait3A_92] : memref<5x128x128xf32, #tpu.memory_space<vmem>> -> memref<1x128x128xf32, #tpu.memory_space<vmem>>
    %dma_wait3A_94 = tpu.memref_squeeze %dma_wait3A_93 : memref<1x128x128xf32, #tpu.memory_space<vmem>> -> memref<128x128xf32, #tpu.memory_space<vmem>>
    tpu.wait_dma2 semaphore(%arg8 : memref<!tpu.dma_semaphore, #tpu.memory_space<semaphore_mem>>) src(%dma_wait3A_94 : memref<128x128xf32, #tpu.memory_space<vmem>>) dst(%dma_wait3A_90 : memref<128x128xf32, #tpu.memory_space<hbm>>)
    %dma_wait3A_95 = arith.constant 2 : i32
    %dma_wait3A_96 = arith.constant 0 : i32
    %dma_wait3A_97 = arith.constant 0 : i32
    %dma_wait3A_98 = tpu.memref_slice %arg6[%dma_wait3A_95, %dma_wait3A_96, %dma_wait3A_97] : memref<5x128x128xf32, #tpu.memory_space<vmem>> -> memref<1x128x128xf32, #tpu.memory_space<vmem>>
    %dma_wait3A_99 = tpu.memref_squeeze %dma_wait3A_98 : memref<1x128x128xf32, #tpu.memory_space<vmem>> -> memref<128x128xf32, #tpu.memory_space<vmem>>
    %dma_wait3A_100 = arith.constant 0 : i32
    %dma_wait3A_101 = arith.constant 0 : i32
    %dma_wait3A_102 = tpu.memref_slice %arg4[%dma_wait3A_100, %dma_wait3A_101] : memref<204800x128xf32, #tpu.memory_space<hbm>> -> memref<128x128xf32, #tpu.memory_space<hbm>>
    %dma_wait3A_103 = arith.constant 0 : i32
    %dma_wait3A_104 = arith.constant 0 : i32
    %dma_wait3A_105 = tpu.memref_slice %arg4[%dma_wait3A_103, %dma_wait3A_104] : memref<204800x128xf32, #tpu.memory_space<hbm>> -> memref<128x128xf32, #tpu.memory_space<hbm>>
    %dma_wait3A_106 = arith.constant 0 : i32
    %dma_wait3A_107 = arith.constant 0 : i32
    %dma_wait3A_108 = tpu.memref_slice %arg6[%dma_wait3A_95, %dma_wait3A_106, %dma_wait3A_107] : memref<5x128x128xf32, #tpu.memory_space<vmem>> -> memref<1x128x128xf32, #tpu.memory_space<vmem>>
    %dma_wait3A_109 = tpu.memref_squeeze %dma_wait3A_108 : memref<1x128x128xf32, #tpu.memory_space<vmem>> -> memref<128x128xf32, #tpu.memory_space<vmem>>
    tpu.wait_dma2 semaphore(%arg8 : memref<!tpu.dma_semaphore, #tpu.memory_space<semaphore_mem>>) src(%dma_wait3A_109 : memref<128x128xf32, #tpu.memory_space<vmem>>) dst(%dma_wait3A_105 : memref<128x128xf32, #tpu.memory_space<hbm>>)
    %dma_wait3A_110 = arith.constant 3 : i32
    %dma_wait3A_111 = arith.constant 0 : i32
    %dma_wait3A_112 = arith.constant 0 : i32
    %dma_wait3A_113 = tpu.memref_slice %arg6[%dma_wait3A_110, %dma_wait3A_111, %dma_wait3A_112] : memref<5x128x128xf32, #tpu.memory_space<vmem>> -> memref<1x128x128xf32, #tpu.memory_space<vmem>>
    %dma_wait3A_114 = tpu.memref_squeeze %dma_wait3A_113 : memref<1x128x128xf32, #tpu.memory_space<vmem>> -> memref<128x128xf32, #tpu.memory_space<vmem>>
    %dma_wait3A_115 = arith.constant 0 : i32
    %dma_wait3A_116 = arith.constant 0 : i32
    %dma_wait3A_117 = tpu.memref_slice %arg4[%dma_wait3A_115, %dma_wait3A_116] : memref<204800x128xf32, #tpu.memory_space<hbm>> -> memref<128x128xf32, #tpu.memory_space<hbm>>
    %dma_wait3A_118 = arith.constant 0 : i32
    %dma_wait3A_119 = arith.constant 0 : i32
    %dma_wait3A_120 = tpu.memref_slice %arg4[%dma_wait3A_118, %dma_wait3A_119] : memref<204800x128xf32, #tpu.memory_space<hbm>> -> memref<128x128xf32, #tpu.memory_space<hbm>>
    %dma_wait3A_121 = arith.constant 0 : i32
    %dma_wait3A_122 = arith.constant 0 : i32
    %dma_wait3A_123 = tpu.memref_slice %arg6[%dma_wait3A_110, %dma_wait3A_121, %dma_wait3A_122] : memref<5x128x128xf32, #tpu.memory_space<vmem>> -> memref<1x128x128xf32, #tpu.memory_space<vmem>>
    %dma_wait3A_124 = tpu.memref_squeeze %dma_wait3A_123 : memref<1x128x128xf32, #tpu.memory_space<vmem>> -> memref<128x128xf32, #tpu.memory_space<vmem>>
    tpu.wait_dma2 semaphore(%arg8 : memref<!tpu.dma_semaphore, #tpu.memory_space<semaphore_mem>>) src(%dma_wait3A_124 : memref<128x128xf32, #tpu.memory_space<vmem>>) dst(%dma_wait3A_120 : memref<128x128xf32, #tpu.memory_space<hbm>>)
    %dma_wait3A_125 = arith.constant 4 : i32
    %dma_wait3A_126 = arith.constant 0 : i32
    %dma_wait3A_127 = arith.constant 0 : i32
    %dma_wait3A_128 = tpu.memref_slice %arg6[%dma_wait3A_125, %dma_wait3A_126, %dma_wait3A_127] : memref<5x128x128xf32, #tpu.memory_space<vmem>> -> memref<1x128x128xf32, #tpu.memory_space<vmem>>
    %dma_wait3A_129 = tpu.memref_squeeze %dma_wait3A_128 : memref<1x128x128xf32, #tpu.memory_space<vmem>> -> memref<128x128xf32, #tpu.memory_space<vmem>>
    %dma_wait3A_130 = arith.constant 0 : i32
    %dma_wait3A_131 = arith.constant 0 : i32
    %dma_wait3A_132 = tpu.memref_slice %arg4[%dma_wait3A_130, %dma_wait3A_131] : memref<204800x128xf32, #tpu.memory_space<hbm>> -> memref<128x128xf32, #tpu.memory_space<hbm>>
    %dma_wait3A_133 = arith.constant 0 : i32
    %dma_wait3A_134 = arith.constant 0 : i32
    %dma_wait3A_135 = tpu.memref_slice %arg4[%dma_wait3A_133, %dma_wait3A_134] : memref<204800x128xf32, #tpu.memory_space<hbm>> -> memref<128x128xf32, #tpu.memory_space<hbm>>
    %dma_wait3A_136 = arith.constant 0 : i32
    %dma_wait3A_137 = arith.constant 0 : i32
    %dma_wait3A_138 = tpu.memref_slice %arg6[%dma_wait3A_125, %dma_wait3A_136, %dma_wait3A_137] : memref<5x128x128xf32, #tpu.memory_space<vmem>> -> memref<1x128x128xf32, #tpu.memory_space<vmem>>
    %dma_wait3A_139 = tpu.memref_squeeze %dma_wait3A_138 : memref<1x128x128xf32, #tpu.memory_space<vmem>> -> memref<128x128xf32, #tpu.memory_space<vmem>>
    tpu.wait_dma2 semaphore(%arg8 : memref<!tpu.dma_semaphore, #tpu.memory_space<semaphore_mem>>) src(%dma_wait3A_139 : memref<128x128xf32, #tpu.memory_space<vmem>>) dst(%dma_wait3A_135 : memref<128x128xf32, #tpu.memory_space<hbm>>)
    return
  }
}

</mosaic_0001>

<sc_bundles>
// kernel: kernel.3.cloned.1.call-start
scs
__scs_entry_jumppad:
0x0: {  	(pc) =	sbr.rel $0x88, $3  }
0x1: {  	(tag) =	ssettag $0x0;
	lr =	simm.s32 $0x1  }
0x2: {  	[smem:$0x3F9F] =	sst lr;
	_ =	strace $0xD0000000  }
0x3: {  	_ = 	snop  }
0x4: {  	_ = 	snop  }
0x5: {  	_ = 	snop  }
0x6: {  	_ = 	snop  }
0x7: {  	_ = 	snop  }
__scs_overlays_trampoline_lowered:
0x8: {  	[smem:$0x3FAE] =	sst s0  }
0x9: {  	[smem:$0x3FAF] =	sst s1  }
0xa: {  	[smem:$0x3FB0] =	sst s2  }
0xb: {  	[smem:$0x3FB1] =	sst s3  }
0xc: {  	[smem:$0x3FB2] =	sst s4  }
0xd: {  	[smem:$0x3FB3] =	sst s5  }
0xe: {  	[smem:$0x3FB4] =	sst s6  }
0xf: {  	[smem:$0x3FB5] =	sst s7  }
0x10: {  	[smem:$0x3FB6] =	sst s8  }
0x11: {  	[smem:$0x3FB7] =	sst s9;
	s0 =	simm.s32 @!p0 $0x0  }
0x12: {  	s1 =	sld [smem:$0x3F9D];
	s0 =	simm.s32 @p0 $0x1  }
0x13: {  	[smem:$0x3FB8] =	sst s0;
	s0 =	simm.s32 @!p1 $0x0  }
0x14: {  	s2 =	sld [smem:$0x3F9C];
	s0 =	simm.s32 @p1 $0x1  }
0x15: {  	[smem:$0x3FB9] =	sst s0;
	s0 =	simm.s32 @!p2 $0x0  }
0x16: {  	s3 =	sld [smem:$0x3FDB];
	s0 =	simm.s32 @p2 $0x1  }
0x17: {  	s4 =	simm.s32 $0x1BF5;
	[smem:$0x3FBB] =	sst s0  }
0x18: {  	s0 =	sld [smem:$0x3F9E];
	_ =	swait.ge [sflag:s4], $0x0  }
0x19: {  	s7 =	sld [smem:$0x3F9F]  }
0x1a: {  	s8 =	sadd.s32 $0xFFFFE003, lr  }
0x1b: {  	s9 =	sadd.s32 $0xFFFFFEF7, lr;
	s5 =	simm.s32 $0xFFFFFFFF;
	p2 =	slt.u32 s8, $0xFFFFF086  }
0x1c: {  	p1 =	slt.u32 s9, $0xF7A;
	s5 =	simm.s32 @!p2 $0x0  }
0x1d: {  	s5 =	simm.s32 @p1 $0x1;
	p0 =	seq.s32 s7, s2  }
0x1e: {  	s7 =	smul.u32 @!p0 $0xF7A, s2;
	p2 =	seq.s32 @!p0 s5, $0x0  }
0x1f: {  	s9 =	smul.u32 $0xF7A, s1;
	s8 =	simm.s32 @!p0 $0x1BF5;
	p2 =	por !p2, p0  }
0x20: {  	[sflag:s8] =	ssyncset.s32 @!p0 $0xFFFFF086;
	s6 =	sadd.s32 @!p0 s3, s7;
	s7 =	simm.s32 @!p0 $0x108  }
0x21: {  	s3 =	sadd.s32 s3, s9;
	s6 =	sadd.s32 @!p0 $0x88, s6;
	s7 =	simm.s32 @p2 $0x1082  }
0x22: {  	[simem:s7], [sflag:s8] =	dma.local @!p0 [hbm:s6], $0xF7A  }
0x23: {  	s9 =	sor.u32 $0xD0000000, s2;
	s6 =	simm.s32 $0x108;
	_ =	swait.ge @!p0 [sflag:s8], $0x0  }
0x24: {  	s3 =	sadd.s32 $0x88, s3;
	s6 =	simm.s32 @!p1 $0x1082;
	[sflag:s4] =	ssyncset.s32 $0xFFFFF086  }
0x25: {  	[simem:s6], [sflag:s4] =	dma.local [hbm:s3], $0xF7A  }
0x26: {  	[smem:$0x3F9F] =	sst s1;
	(tag) =	ssettag s2;
	_ =	strace s9  }
0x27: {  	s1 =	sld [smem:$0x3FAF]  }
0x28: {  	s2 =	sld [smem:$0x3FB0]  }
0x29: {  	s4 =	sld [smem:$0x3FB2]  }
0x2a: {  	p0 =	seq.s32 s5, $0x0;
	s5 =	sld [smem:$0x3FB3]  }
0x2b: {  	s6 =	sld [smem:$0x3FB4]  }
0x2c: {  	s7 =	sld [smem:$0x3FB5]  }
0x2d: {  	s3 =	simm.s32 $0x108;
	s8 =	sld [smem:$0x3FB6]  }
0x2e: {  	s3 =	simm.s32 @!p0 $0x1082;
	s9 =	sld [smem:$0x3FB7]  }
0x2f: {  	lr =	sadd.s32 s0, s3;
	s0 =	sld [smem:$0x3FAE]  }
0x30: {  	s3 =	sld [smem:$0x3FB1]  }
0x31: {  	[smem:$0x3FBA] =	sst s10  }
0x32: {  	s10 =	sld [smem:$0x3FB8];
	_ =	sdelay $0x3  }
0x33: {  	p0 =	seq.s32 s10, $0x1;
	s10 =	sld [smem:$0x3FBA];
	_ =	sdelay $0x3  }
0x34: {  	[smem:$0x3FBA] =	sst s10  }
0x35: {  	s10 =	sld [smem:$0x3FB9];
	_ =	sdelay $0x3  }
0x36: {  	p1 =	seq.s32 s10, $0x1;
	s10 =	sld [smem:$0x3FBA];
	_ =	sdelay $0x3  }
0x37: {  	[smem:$0x3FBA] =	sst s10  }
0x38: {  	s10 =	sld [smem:$0x3FBB]  }
0x39: {  	_ = 	snop;
	(pc) =	sbr.ind lr, $3  }
0x3a: {  	_ = 	snop  }
0x3b: {  	_ = 	snop  }
0x3c: {  	p2 =	seq.s32 s10, $0x1;
	s10 =	sld [smem:$0x3FBA]  }
0x3d: {  	_ =	shalt  }
0x3e: {  	_ =	shalt  }
0x3f: {  	_ =	shalt  }
0x40: {  	_ =	shalt  }
0x41: {  	_ =	shalt  }
0x42: {  	_ =	shalt  }
0x43: {  	_ =	shalt  }
0x44: {  	_ =	shalt  }
0x45: {  	_ =	shalt  }
0x46: {  	_ =	shalt  }
0x47: {  	_ =	shalt  }
0x48: {  	_ =	shalt  }
0x49: {  	_ =	shalt  }
0x4a: {  	_ =	shalt  }
0x4b: {  	_ =	shalt  }
0x4c: {  	_ =	shalt  }
0x4d: {  	_ =	shalt  }
0x4e: {  	_ =	shalt  }
0x4f: {  	_ =	shalt  }
0x50: {  	_ =	shalt  }
0x51: {  	_ =	shalt  }
0x52: {  	_ =	shalt  }
0x53: {  	_ =	shalt  }
0x54: {  	_ =	shalt  }
0x55: {  	_ =	shalt  }
0x56: {  	_ =	shalt  }
0x57: {  	_ =	shalt  }
0x58: {  	_ =	shalt  }
0x59: {  	_ =	shalt  }
0x5a: {  	_ =	shalt  }
0x5b: {  	_ =	shalt  }
0x5c: {  	_ =	shalt  }
0x5d: {  	_ =	shalt  }
0x5e: {  	_ =	shalt  }
0x5f: {  	_ =	shalt  }
0x60: {  	_ =	shalt  }
0x61: {  	_ =	shalt  }
0x62: {  	_ =	shalt  }
0x63: {  	_ =	shalt  }
0x64: {  	_ =	shalt  }
0x65: {  	_ =	shalt  }
0x66: {  	_ =	shalt  }
0x67: {  	_ =	shalt  }
0x68: {  	_ =	shalt  }
0x69: {  	_ =	shalt  }
0x6a: {  	_ =	shalt  }
0x6b: {  	_ =	shalt  }
0x6c: {  	_ =	shalt  }
0x6d: {  	_ =	shalt  }
0x6e: {  	_ =	shalt  }
0x6f: {  	_ =	shalt  }
0x70: {  	_ =	shalt  }
0x71: {  	_ =	shalt  }
0x72: {  	_ =	shalt  }
0x73: {  	_ =	shalt  }
0x74: {  	_ =	shalt  }
0x75: {  	_ =	shalt  }
0x76: {  	_ =	shalt  }
0x77: {  	_ =	shalt  }
0x78: {  	_ =	shalt  }
0x79: {  	_ =	shalt  }
0x7a: {  	_ =	shalt  }
0x7b: {  	_ =	shalt  }
0x7c: {  	_ =	shalt  }
0x7d: {  	_ =	shalt  }
0x7e: {  	_ =	shalt  }
0x7f: {  	_ =	shalt  }
0x80: {  	_ =	shalt  }
0x81: {  	_ =	shalt  }
0x82: {  	_ =	shalt  }
0x83: {  	_ =	shalt  }
0x84: {  	_ =	shalt  }
0x85: {  	_ =	shalt  }
0x86: {  	_ =	shalt  }
0x87: {  	_ =	shalt  }
.Lfunc_end0:
.L_simem_size_0:
called_computation_lowered:
.L_overlay_start_0:
0x88: {  	s2 =	sld [smem:$0x3FD9]  }
0x89: {  	s3 =	sld [smem:$0x3FFE];
	_ =	sdelay $0x1  }
0x8a: {  	s1 =	srdreg.scid  }
0x8b: {  	s0 =	sand.u32 $0x1, s1  }
0x8c: {  	s17 =	sshll.u32 s0, $0xA;
	s2 =	sadd.s32 s3, s2  }
0x8d: {  	s2 =	sadd.s32 s2, s17  }
0x8e: {  	[smem:$0x3FC6] =	sst s2  }
0x8f: {  	_ = 	snop  }
0x90: {  	s2 =	sld [smem:$0x3FC8]  }
0x91: {  	s18 =	sld [smem:$0x3FD0];
	(tm) =	ssettm $0x1  }
0x92: {  	s4 =	sld [smem:$0x3FFB];
	_ =	sdelay $0x3  }
0x93: {  	_ =	strace s4  }
0x94: {  	s4 =	sld [smem:$0x3FFC];
	_ =	sdelay $0x3  }
0x95: {  	_ =	strace s4  }
0x96: {  	s4 =	sld [smem:$0x3FFD];
	_ =	sdelay $0x3  }
0x97: {  	_ =	strace s4  }
0x98: {  	_ =	strace $0x8FFFFFFF  }
0x99: {  	s19 =	sld [smem:$0x3FDB];
	_ =	sdelay $0x1  }
0x9a: {  	s5 =	simm.s32 $_scs_section_size  }
0x9b: {  	s6 =	simm.s32 $_size__tile_overlayer_lowered;
	s7 =	simm.s32 $_tile_overlayer_lowered  }
0x9c: {  	s22 =	simm.s32 $0x1BFF;
	s21 =	sshll.u32 s7, $0x1;
	s4 =	sadd.s32 s5, s19  }
0x9d: {  	s8 =	simm.s32 $0x0;
	s20 =	sshll.u32 s6, $0x1;
	s6 =	sadd.s32 s21, s4  }
0x9e: {  	[timem:s8], [sflag:s22] =	dma.local [hbm:s6], s20  }
0x9f: {  	_ =	swait.ge [sflag:s22], s20  }
0xa0: {  	s5 =	ssub.s32 $0x0, s20;
	[sflag:s22] =	ssyncset.done $0x0  }
0xa1: {  	[sflag:s22] =	ssyncadd.s32 s5;
	_ =	sdelay $0x1  }
0xa2: {  	s23 =	simm.s32 $0x1B8B  }
0xa3: {  	_ =	swait.ge [sflag:s23], $0x1  }
0xa4: {  	[sflag:s23] =	ssyncset.done $0x0  }
0xa5: {  	s25 =	simm.s32 $0x1B8E;
	s24 =	sld [smem:$0x3FFE];
	[sflag:s23] =	ssyncadd.s32 $0xFFFFFFFF  }
0xa6: {  	s26 =	simm.s32 $execute0_lowered;
	[smem:$0x3FD2] =	sst s25  }
0xa7: {  	s6 =	sshll.u32 s26, $0x1;
	_ =	strace $0x80000046;
	[dreg:$0x1] =	wrdreg $0xFFFFFFFF  }
0xa8: {  	s28 =	simm.s32 $_size_execute0_lowered;
	s4 =	sadd.s32 s4, s6;
	[dreg:$0x0] =	wrdreg $0x0  }
0xa9: {  	s6 =	sshll.u32 s28, $0x1;
	[dreg:$0x2] =	wrdreg s4  }
0xaa: {  	[dreg:$0x3] =	wrdreg s6  }
0xab: {  	[dreg:$0x4] =	wrdreg $0xC0  }
0xac: {  	_ =	task [dreg:s8], $0x5FFFF  }
0xad: {  	[dreg:$0x1] =	wrdreg $0xFFFFFFFF  }
0xae: {  	[dreg:$0x0] =	wrdreg $0x60  }
0xaf: {  	[dreg:$0x2] =	wrdreg s24  }
0xb0: {  	[dreg:$0x3] =	wrdreg s2  }
0xb1: {  	[dreg:$0x4] =	wrdreg s18  }
0xb2: {  	[dreg:$0x5] =	wrdreg $0x9  }
0xb3: {  	_ =	task.clear_ibuf [dreg:s8], $0x6FFFF;
	_ =	strace $0x90000046  }
0xb4: {  	s29 =	simm.s32 $0x9;
	_ =	strace $0x80000048  }
0xb5: {  	_ =	swait.ge [sflag:s29], $0x1  }
0xb6: {  	[sflag:s29] =	ssyncadd.s32 $0xFFFFFFFF  }
0xb7: {  	_ =	strace $0x90000048  }
0xb8: {  	_ =	sfence  }
0xb9: {  	s30 =	sld [smem:$0x0];
	_ =	sdelay $0x2  }
0xba: {  	s31 =	sshll.u32 s1, $0xD;
	s1 =	sshrl.u32 s1, $0x2  }
0xbb: {  	s3 =	sand.u32 $0x4000, s31;
	s1 =	sadd.s32 s1, s30  }
0xbc: {  	s0 =	sor.u32 s3, s0;
	s1 =	sshll.u32 s1, $0x11  }
0xbd: {  	s0 =	sor.u32 s1, s0  }
0xbe: {  	s0 =	sadd.s32 $0x8F2B, s0  }
0xbf: {  	[sflag:s0] =	ssyncadd.remote.s32 $0x1  }
0xc0: {  	_ =	sfence.sel $0xFFFF  }
0xc1: {  	[dreg:$0x0] =	wrdreg $0xFFFFFFFF;
	(pc) =	sbr.abs _section_cstart, $3  }
0xc2: {  	[dreg:$0x1] =	wrdreg $0xFFFFFFFF  }
0xc3: {  	_ =	task.clear_ibuf [dreg:s8], $0x2FFFF;
	_ =	strace $0x9FFFFFFF  }
0xc4: {  	(tm) =	ssettm $0x7FFFFFFF  }
0xc5: {  	_ =	shalt  }
tec
execute0_lowered:
.L_overlay_start_1:
0x0: {  	(tag) =	ssettag $0x1  }
0x1: {  	s1 =	rddreg [dreg:$0x0]  }
0x2: {  	s3 =	srdreg.scid;
	s2 =	rddreg [dreg:$0x1]  }
0x3: {  	s0 =	stileid.u32;
	s10 =	rddreg [dreg:$0x2];
	s14 =	simm.s32 $0x1C00  }
0x4: {  	s15 =	simm.s32 $0x5C00;
	s17 =	simm.s32 $0x9C00;
	s21 =	simm.s32 $0x11C00  }
0x5: {  	s22 =	simm.s32 $0x1;
	s23 =	simm.s32 $0x2;
	s6 =	smul.u32 $0x190000, s0  }
0x6: {  	s9 =	sand.u32 $0x1, s3;
	s24 =	sshll.u32 s0, $0x1;
	s12 =	smul.u32 $0x32000, s0  }
0x7: {  	s3 =	simm.s32 $0x0;
	s4 =	sor.u32 s9, s24;
	s8 =	smul.u32 $0xC8000, s9  }
0x8: {  	[smem:$0x7FF] =	sst s3;
	s7 =	ssub.s32 $0x2, s9;
	s13 =	smul.u32 $0x19000, s9  }
0x9: {  	s24 =	simm.s32 $0x0;
	s5 =	smul.u32 $0x380, s4;
	_ =	strace $0x80000047  }
0xa: {  	s25 =	sshrl.u32 s7, $0x1;
	s11 =	smul.u32 $0xC8000, s4;
	s31 =	sadd.s32 s12, s10  }
0xb: {  	s12 =	simm.s32 $0x3;
	s26 =	sadd.s32 s8, s6;
	s1 =	sadd.s32 s5, s1  }
0xc: {  	s5 =	ssub.s32 s7, s25;
	s28 =	sshrl.u32 s11, $0x3;
	s29 =	sadd.s32 $0x10000, s26  }
0xd: {  	s8 =	sadd.s32 $0xC000, s26;
	s30 =	sadd.s32 $0x8000, s26;
	s4 =	sadd.s32 $0x400, s1  }
.Ltmp0:
0xe: {  	s5 =	smax.u32 s5, $0x1;
	s6 =	sadd.s32 s10, s28;
	(pc) =	sbr.rel .LBB2_1-.Ltmp0, $4  }
0xf: {  	s7 =	sshrl.u32 s29, $0x3;
	s8 =	sshrl.u32 s8, $0x3;
	s11 =	sshrl.u32 s30, $0x3  }
0x10: {  	s1 =	sor.u32 $0x4000, s26;
	s6 =	sadd.s32 $0x18000, s6;
	s7 =	sadd.s32 s7, s10  }
0x11: {  	s8 =	sadd.s32 s8, s10;
	s9 =	sadd.s32 s11, s10;
	s1 =	sshrl.u32 s1, $0x3  }
0x12: {  	s11 =	sadd.s32 s13, s31;
	s13 =	simm.s32 $0x80;
	s10 =	sadd.s32 s1, s10  }
.LBB2_4:
0x13: {  	_ =	swait.ge [sflag:s23], $0x4000  }
0x14: {  	[sflag:s23] =	ssyncset.done $0x0  }
0x15: {  	[sflag:s23] =	ssyncadd.s32 $0xFFFFC000  }
0x16: {  	_ =	swait.ge [sflag:s23], $0x4000  }
0x17: {  	[sflag:s23] =	ssyncset.done $0x0  }
0x18: {  	s24 =	sadd.s32 $0x1, s24;
	[sflag:s23] =	ssyncadd.s32 $0xFFFFC000  }
0x19: {  	p0 =	sne.s32 s24, s5;
	_ =	swait.ge [sflag:s23], $0x4000  }
.Ltmp1:
0x1a: {  	[sflag:s23] =	ssyncset.done $0x0;
	(pc) =	sbr.rel @!p0 .LBB2_5-.Ltmp1, $4  }
0x1b: {  	[sflag:s23] =	ssyncadd.s32 $0xFFFFC000  }
0x1c: {  	_ =	swait.ge [sflag:s23], $0x4000  }
0x1d: {  	[sflag:s23] =	ssyncset.done $0x0  }
0x1e: {  	[sflag:s23] =	ssyncadd.s32 $0xFFFFC000  }
.LBB2_1:
0x1f: {  	[tilespmem:s3], [sflag:$0x3] =	stream.linear.gather [hbm4b:s4+s3], $0x1900, $0x38;
	[tilespmem:$0x15C00] =	vst v63  }
0x20: {  	_ =	swait.ge [sflag:s12], $0x1900  }
0x21: {  	[sflag:s12] =	ssyncset.done $0x0  }
0x22: {  	[sflag:s12] =	ssyncadd.s32 $0xFFFFE700  }
0x23: {  	[tilespmem:s14], [sflag:$0x1] =	stream.indirect.gather [hbm4b:s2+s13], $0x80, s3, s13, $0xb8;
	[tilespmem:$0x15C00] =	vst v63  }
0x24: {  	_ = 	snop  }
0x25: {  	[tilespmem:s15], [sflag:$0x1] =	stream.indirect.gather [hbm4b:s2+s13], $0x80, s13, s13, $0xb8;
	[tilespmem:$0x15C00] =	vst v63  }
0x26: {  	s0 =	simm.s32 $0x100;
	s25 =	simm.s32 $0x180  }
0x27: {  	[tilespmem:s17], [sflag:$0x1] =	stream.indirect.gather [hbm4b:s2+s13], $0x80, s0, s13, $0xb8;
	[tilespmem:$0x15C00] =	vst v63  }
0x28: {  	s1 =	simm.s32 $0xDC00;
	s26 =	simm.s32 $0x200;
	s28 =	smov.u32 s10  }
0x29: {  	[tilespmem:s1], [sflag:$0x1] =	stream.indirect.gather [hbm4b:s2+s13], $0x80, s25, s13, $0xb8;
	[tilespmem:$0x15C00] =	vst v63  }
0x2a: {  	s29 =	smov.u32 s9;
	s30 =	smov.u32 s8;
	s31 =	smov.u32 s7  }
0x2b: {  	[tilespmem:s21], [sflag:$0x1] =	stream.indirect.gather [hbm4b:s2+s13], $0x80, s26, s13, $0xb8;
	[tilespmem:$0x15C00] =	vst v63  }
0x2c: {  	s25 =	simm.s32 $0xFFFFFFFE;
	s1 =	simm.s32 $0x0;
	s26 =	smov.u32 s11  }
.LBB2_2:
0x2d: {  	_ =	swait.ge [sflag:s22], $0x4000  }
0x2e: {  	p0 =	sgt.u32 s25, $0x2C;
	[sflag:s22] =	ssyncset.done $0x0  }
0x2f: {  	s0 =	simm.s32 @!p0 $0x2;
	[sflag:s22] =	ssyncadd.s32 $0xFFFFC000  }
0x30: {  	[hbm4b:s26+s3] =	stream.linear.scatter [tilespmem:s14], [sflag:$0x2], $0x4000, $0x38;
	[tilespmem:$0x15C00] =	vst v63  }
0x31: {  	_ =	swait.ge @!p0 [sflag:s0], $0x4000  }
0x32: {  	[sflag:s0] =	ssyncset.done @!p0 $0x0  }
0x33: {  	[sflag:s0] =	ssyncadd.s32 @!p0 $0xFFFFC000;
	s0 =	sshra.s32 @!p0 s1, $0x2  }
0x34: {  	s16 =	simm.s32 @!p0 $0x80;
	s18 =	simm.s32 @!p0 $0xDC00;
	s0 =	sadd.s32 @!p0 $0x180, s0  }
0x35: {  	[tilespmem:s18], [sflag:$0x1] =	stream.indirect.gather @!p0 [hbm4b:s2+s16], $0x80, s0, s16, $0xb8;
	[tilespmem:$0x15C00] =	vst v63  }
0x36: {  	s20 =	sadd.s32 $0x1, s25;
	_ =	swait.ge [sflag:s22], $0x4000  }
0x37: {  	p0 =	sgt.u32 s20, $0x2C;
	[sflag:s22] =	ssyncset.done $0x0  }
0x38: {  	s0 =	simm.s32 @!p0 $0x2;
	[sflag:s22] =	ssyncadd.s32 $0xFFFFC000  }
0x39: {  	[hbm4b:s28+s3] =	stream.linear.scatter [tilespmem:s15], [sflag:$0x2], $0x4000, $0x38;
	[tilespmem:$0x15C00] =	vst v63  }
0x3a: {  	_ =	swait.ge @!p0 [sflag:s0], $0x4000  }
0x3b: {  	[sflag:s0] =	ssyncset.done @!p0 $0x0  }
0x3c: {  	[sflag:s0] =	ssyncadd.s32 @!p0 $0xFFFFC000;
	s0 =	sshra.s32 @!p0 s1, $0x2  }
0x3d: {  	s16 =	simm.s32 @!p0 $0x80;
	s18 =	simm.s32 @!p0 $0x11C00;
	s0 =	sadd.s32 @!p0 $0x200, s0  }
0x3e: {  	[tilespmem:s18], [sflag:$0x1] =	stream.indirect.gather @!p0 [hbm4b:s2+s16], $0x80, s0, s16, $0xb8;
	[tilespmem:$0x15C00] =	vst v63  }
0x3f: {  	_ =	swait.ge [sflag:s22], $0x4000  }
0x40: {  	p0 =	seq.s32 s1, $0x5A00;
	[sflag:s22] =	ssyncset.done $0x0  }
0x41: {  	s0 =	simm.s32 @p0 $0x1;
	[sflag:s22] =	ssyncadd.s32 $0xFFFFC000  }
0x42: {  	[hbm4b:s29+s3] =	stream.linear.scatter [tilespmem:s17], [sflag:$0x2], $0x4000, $0x38;
	[tilespmem:$0x15C00] =	vst v63  }
0x43: {  	_ =	swait.ge @p0 [sflag:s0], $0x4000  }
0x44: {  	[sflag:s0] =	ssyncset.done @p0 $0x0  }
0x45: {  	s16 =	simm.s32 @p0 $0xDC00;
	[sflag:s0] =	ssyncadd.s32 @p0 $0xFFFFC000;
	s0 =	simm.s32 @p0 $0x0  }
0x46: {  	[hbm4b:s6+s0] =	stream.linear.scatter @p0 [tilespmem:s16], [sflag:$0x2], $0x4000, $0x38;
	[tilespmem:$0x15C00] =	vst v63  }
0x47: {  	s0 =	simm.s32 @!p0 $0x2  }
0x48: {  	_ =	swait.ge @!p0 [sflag:s0], $0x4000  }
0x49: {  	s19 =	simm.s32 @!p0 $0x80;
	s16 =	sshra.s32 @!p0 s1, $0x2;
	[sflag:s0] =	ssyncset.done @!p0 $0x0  }
0x4a: {  	s20 =	simm.s32 @!p0 $0x1C00;
	s18 =	sadd.s32 @!p0 $0x280, s16;
	[sflag:s0] =	ssyncadd.s32 @!p0 $0xFFFFC000  }
0x4b: {  	[tilespmem:s20], [sflag:$0x1] =	stream.indirect.gather @!p0 [hbm4b:s2+s19], $0x80, s18, s19, $0xb8;
	[tilespmem:$0x15C00] =	vst v63  }
0x4c: {  	s18 =	simm.s32 @!p0 $0x1  }
0x4d: {  	_ =	swait.ge @!p0 [sflag:s18], $0x4000  }
0x4e: {  	[sflag:s18] =	ssyncset.done @!p0 $0x0  }
0x4f: {  	s20 =	simm.s32 @!p0 $0xDC00;
	[sflag:s18] =	ssyncadd.s32 @!p0 $0xFFFFC000;
	s18 =	simm.s32 @!p0 $0x0  }
0x50: {  	[hbm4b:s30+s18] =	stream.linear.scatter @!p0 [tilespmem:s20], [sflag:$0x2], $0x4000, $0x38;
	[tilespmem:$0x15C00] =	vst v63  }
0x51: {  	_ =	swait.ge @!p0 [sflag:s0], $0x4000  }
0x52: {  	[sflag:s0] =	ssyncset.done @!p0 $0x0  }
0x53: {  	[sflag:s0] =	ssyncadd.s32 @!p0 $0xFFFFC000;
	s0 =	sadd.s32 @!p0 $0x300, s16;
	s16 =	simm.s32 @!p0 $0x5C00  }
0x54: {  	[tilespmem:s16], [sflag:$0x1] =	stream.indirect.gather @!p0 [hbm4b:s2+s19], $0x80, s0, s19, $0xb8;
	[tilespmem:$0x15C00] =	vst v63  }
0x55: {  	_ =	swait.ge [sflag:s22], $0x4000  }
0x56: {  	[sflag:s22] =	ssyncset.done $0x0  }
.Ltmp2:
0x57: {  	[sflag:s22] =	ssyncadd.s32 $0xFFFFC000;
	(pc) =	sbr.rel @p0 .LBB2_4-.Ltmp2, $4  }
0x58: {  	[hbm4b:s31+s3] =	stream.linear.scatter [tilespmem:s21], [sflag:$0x2], $0x4000, $0x38;
	[tilespmem:$0x15C00] =	vst v63  }
0x59: {  	_ =	swait.ge [sflag:s23], $0x4000  }
0x5a: {  	[sflag:s23] =	ssyncset.done $0x0  }
0x5b: {  	[sflag:s23] =	ssyncadd.s32 $0xFFFFC000  }
.Ltmp3:
0x5c: {  	(pc) =	sbr.rel .LBB2_2-.Ltmp3, $4  }
0x5d: {  	s0 =	sshra.s32 s1, $0x2;
	s1 =	sadd.s32 $0xA00, s1;
	s31 =	sadd.s32 $0x2800, s31  }
0x5e: {  	s30 =	sadd.s32 $0x2800, s30;
	s29 =	sadd.s32 $0x2800, s29;
	s28 =	sadd.s32 $0x2800, s28  }
0x5f: {  	s26 =	sadd.s32 $0x2800, s26;
	s25 =	sadd.s32 $0x5, s25;
	s0 =	sadd.s32 $0x380, s0  }
0x60: {  	[tilespmem:s17], [sflag:$0x1] =	stream.indirect.gather [hbm4b:s2+s13], $0x80, s0, s13, $0xb8;
	[tilespmem:$0x15C00] =	vst v63  }
.LBB2_5:
0x61: {  	_ =	sfence.sel $0x180000  }
0x62: {  	[bflag:$0x0] =	sbarrier.arrive $0xFFFF  }
0x63: {  	_ =	strace $0x90000047  }
0x64: {  	s0 =	stileid.u32;
	[bflag:$0x2] =	sbarrier.arrive $0xFFFF  }
0x65: {  	p0 =	sne.s32 s0, $0x0;
	s0 =	rddreg [dreg:$0x3]  }
0x66: {  	s0 =	sadd.s32 @!p0 $0x100000, s0  }
0x67: {  	[sflag:s0] =	ssyncadd.tile.s32 @!p0 $0x1;
	_ =	shalt  }
.Lfunc_end2:
_tile_overlayer_lowered:
.L_overlay_start_2:
0x68: {  	(tag) =	ssettag $0x2  }
0x69: {  	s0 =	rddreg [dreg:$0x0];
	s2 =	stileid.u32  }
0x6a: {  	s1 =	rddreg [dreg:$0x1];
	p0 =	sne.s32 s2, $0x0  }
0x6b: {  	s3 =	rddreg [dreg:$0x2];
	[bflag:$0x3] =	sbarrier.arrive $0xFFFF;
	s2 =	simm.s32 @!p0 $0x1C03  }
0x6c: {  	[timem:s3], [sflag:s2] =	dma.local @!p0 [hbm:s0], s1  }
0x6d: {  	s0 =	simm.s32 @!p0 $0x3  }
0x6e: {  	_ =	swait.ge @!p0 [sflag:s0], s1  }
0x6f: {  	s1 =	ssub.s32 @!p0 $0x0, s1;
	[sflag:s0] =	ssyncset.done @!p0 $0x0  }
0x70: {  	[sflag:s0] =	ssyncadd.s32 @!p0 s1  }
0x71: {  	[bflag:$0x3] =	sbarrier.arrive $0xFFFF  }
0x72: {  	_ =	shalt  }

</sc_bundles>
